<compile_context>
chip_gen: v7x
topology: tpu7x:2x2x1
jax: 0.10.2.dev20260603
libtpu: 0.0.44.dev20260713+nightly
codegen_flags: <defaults>
</compile_context>

<pallas_src>
import functools

import jax
import jax.numpy as jnp
from jax import lax
from jax.experimental import pallas as pl
from jax.experimental.pallas import tpu as pltpu
from jax.experimental.pallas import tpu_sc as plsc

_NC = 2
_NS = 16
_NW = _NC * _NS
_L = 16
_CHUNK = 64
_NP = 8
_BB = 4


def _lse_body(t_ref, o_ref):
    t = t_ref[...]
    m = jnp.max(t, axis=1, keepdims=True)
    o_ref[...] = m + jnp.log(jnp.sum(jnp.exp(t - m), axis=1, keepdims=True))


def _finalize_body(inv_n, p_ref, o_ref):
    o_ref[...] = jnp.sum(p_ref[...]) * inv_n * jnp.ones((1, 1), jnp.float32)


def _fmt_body(ntok, d, in_ref, o_ref):
    x = in_ref[...]
    outs = []
    for bb in range(_BB):
        pieces = [x[p, bb * ntok:(bb + 1) * ntok, :] for p in range(_NP)]
        outs.append(jnp.concatenate(pieces, axis=-1)[:, :d])
    o_ref[...] = jnp.stack(outs, axis=0)


def _sc_body(x_hbm, y_hbm, t2_hbm, lse_hbm, out8_hbm, part_hbm,
             idx_v, y_v, rows_v, lse_v, acc_v, gsem):
    c = lax.axis_index("c")
    s = lax.axis_index("s")
    wid = s * _NC + c
    n = x_hbm.shape[0]
    per_w = n // _NW
    nchunk = per_w // _CHUNK

    pltpu.sync_copy(lse_hbm, lse_v)
    acc_v[...] = jnp.zeros((_L,), jnp.float32)

    def chunk_body(k, carry):
        base = wid * per_w + k * _CHUNK
        pltpu.sync_copy(x_hbm.at[pl.ds(base, _CHUNK)], idx_v)
        pltpu.sync_copy(y_hbm.at[pl.ds(base, _CHUNK)], y_v)
        pltpu.async_copy(t2_hbm.at[idx_v], rows_v, gsem).wait()
        for p in range(_NP):
            pltpu.sync_copy(rows_v.at[:, pl.ds(p * 128, 128)],
                            out8_hbm.at[p, pl.ds(base, _CHUNK)])
        for g in range(_CHUNK // _L):
            rid = lax.iota(jnp.int32, _L) + (g * _L)
            xg = idx_v[pl.ds(g * _L, _L)]
            yg = y_v[pl.ds(g * _L, _L)]
            lvals = plsc.load_gather(lse_v, [xg])
            tvals = plsc.load_gather(rows_v, [rid, yg])
            acc_v[...] = acc_v[...] + (lvals - tvals)
        return carry

    lax.fori_loop(0, nchunk, chunk_body, 0)

    pltpu.sync_copy(acc_v, part_hbm.at[wid])


def _make_sc_call(n):
    mesh = plsc.VectorSubcoreMesh(
        core_axis_name="c", subcore_axis_name="s",
        num_cores=_NC, num_subcores=_NS)
    return pl.kernel(
        _sc_body,
        out_type=[
            jax.ShapeDtypeStruct((_NP, n, 128), jnp.float32),
            jax.ShapeDtypeStruct((_NW, _L), jnp.float32),
        ],
        mesh=mesh,
        compiler_params=pltpu.CompilerParams(needs_layout_passes=False),
        scratch_types=[
            pltpu.VMEM((_CHUNK,), jnp.int32),
            pltpu.VMEM((_CHUNK,), jnp.int32),
            pltpu.VMEM((_CHUNK, 1024), jnp.float32),
            pltpu.VMEM((1024,), jnp.float32),
            pltpu.VMEM((_L,), jnp.float32),
            pltpu.SemaphoreType.DMA,
        ],
    )


def kernel(x, y, table):
    b, t = x.shape
    v, d = table.shape
    n = b * t
    xf = x.reshape(n).astype(jnp.int32)
    yf = y.reshape(n).astype(jnp.int32)
    t2 = jnp.pad(table, ((0, 0), (0, _NP * 128 - d)))

    lse = pl.pallas_call(
        _lse_body,
        out_shape=jax.ShapeDtypeStruct((v, 1), jnp.float32),
    )(table)
    lse_pad = jnp.pad(lse.reshape(v), (0, 1024 - v))

    out8, parts = _make_sc_call(n)(xf, yf, t2, lse_pad)

    logits = pl.pallas_call(
        functools.partial(_fmt_body, t, d),
        grid=(b // _BB,),
        in_specs=[pl.BlockSpec((_NP, _BB * t, 128), lambda g: (0, g, 0))],
        out_specs=pl.BlockSpec((_BB, t, d), lambda g: (g, 0, 0)),
        out_shape=jax.ShapeDtypeStruct((b, t, d), jnp.float32),
    )(out8)

    loss = pl.pallas_call(
        functools.partial(_finalize_body, 1.0 / n),
        out_shape=jax.ShapeDtypeStruct((1, 1), jnp.float32),
    )(parts)

    return logits, loss[0, 0]

# --- scband reference (transcript-rebuilt; emitter-appended) ---
"""Pipeline reference for scband-bigram-language-model-24850680774785 (READ-ONLY COPY).

The authoritative reference and input builder live on the scoring server;
editing this copy changes nothing except your own understanding.
"""

import jax, jax.numpy as jnp
import numpy as np

VOCAB = 1000
B = 1024
T = 50

def setup_inputs(seed: int = 0) -> dict:
    key = jax.random.key(seed)
    k1, k2, k3 = jax.random.split(key, 3)
    x = jax.random.randint(k1, (B, T), 0, VOCAB, dtype=jnp.int64 if jax.config.jax_enable_x64 else jnp.int32)
    y = jax.random.randint(k2, (B, T), 0, VOCAB, dtype=jnp.int64 if jax.config.jax_enable_x64 else jnp.int32)
    table = jax.random.normal(k3, (VOCAB, VOCAB), dtype=jnp.float32) * 0.02
    return {"x": x, "y": y, "table": table}

def reference(x, y, table):
    # logits = token_embedding_table(x)  -> gather rows of [vocab, vocab] table
    logits = jnp.take(table, x, axis=0)  # [B, T, VOCAB]
    b, t, c = logits.shape
    flat_logits = logits.reshape(b * t, c)
    flat_y = y.reshape(b * t)
    # F.cross_entropy: mean over tokens of -log_softmax(logits)[target]
    logp = jax.nn.log_softmax(flat_logits, axis=-1)
    nll = -jnp.take_along_axis(logp, flat_y[:, None], axis=1)[:, 0]
    loss = jnp.mean(nll)
    return (logits, loss)

if __name__ == "__main__":
    import jax
    _d = setup_inputs()
    print(jax.jit(kernel)(*tuple(_d.values())))

</pallas_src>

<mosaic_0001>
#map = affine_map<(d0, d1) -> (0)>
#map1 = affine_map<(d0, d1) -> (0, 0)>
#map2 = affine_map<(d0, d1) -> (0, 0, 0)>
module attributes {stable_mosaic.version = 14 : i64} {
  func.func @_sc_body(%arg0: i32, %arg1: i32, %arg2: memref<51200xi32, #tpu.memory_space<hbm>>, %arg3: memref<51200xi32, #tpu.memory_space<hbm>>, %arg4: memref<1000x1024xf32, #tpu.memory_space<hbm>>, %arg5: memref<1024xf32, #tpu.memory_space<hbm>>, %arg6: memref<8x51200x128xf32, #tpu.memory_space<hbm>>, %arg7: memref<32x16xf32, #tpu.memory_space<hbm>>, %arg8: memref<64xi32, #tpu.memory_space<vmem>>, %arg9: memref<64xi32, #tpu.memory_space<vmem>>, %arg10: memref<64x1024xf32, #tpu.memory_space<vmem>>, %arg11: memref<1024xf32, #tpu.memory_space<vmem>>, %arg12: memref<16xf32, #tpu.memory_space<vmem>>, %arg13: memref<!tpu.dma_semaphore, #tpu.memory_space<semaphore_mem>>) attributes {dimension_semantics = [#tpu.dimension_semantics<core_parallel>, #tpu.dimension_semantics<subcore_parallel>], iteration_bounds = array<i64: 2, 16>, scalar_prefetch = 0 : i64, scratch_operands = 6 : i64, tpu.core_type = #tpu.core_type<sc_vector_subcore>, window_params = [{transform_indices = #map}, {transform_indices = #map}, {transform_indices = #map1}, {transform_indices = #map}, {transform_indices = #map2}, {transform_indices = #map1}]} {
    %mul3A = arith.constant 2 : i32
    %mul3A_0 = arith.muli %arg1, %mul3A : i32
    %add3A = arith.addi %mul3A_0, %arg0 : i32
    "tpu.region"() ({
      %run_scoped3A = tpu.sem_alloc : memref<!tpu.dma_semaphore, #tpu.memory_space<semaphore_mem>>
      tpu.enqueue_dma source(%arg5 : memref<1024xf32, #tpu.memory_space<hbm>>) target(%arg11 : memref<1024xf32, #tpu.memory_space<vmem>>) target_semaphore(%run_scoped3A : memref<!tpu.dma_semaphore, #tpu.memory_space<semaphore_mem>>)
      tpu.wait_dma2 semaphore(%run_scoped3A : memref<!tpu.dma_semaphore, #tpu.memory_space<semaphore_mem>>) src(%arg5 : memref<1024xf32, #tpu.memory_space<hbm>>) dst(%arg11 : memref<1024xf32, #tpu.memory_space<vmem>>)
      tpu.yield
    }) : () -> ()
    %broadcast_in_dim3A = arith.constant 0.000000e+00 : f32
    %broadcast_in_dim3A_1 = vector.broadcast %broadcast_in_dim3A : f32 to vector<16xf32>
    %swap3A = arith.constant 0 : index
    %swap3A_2 = tpu.vector_load %arg12[%swap3A] {strides = array<i32>} : memref<16xf32, #tpu.memory_space<vmem>>, vector<16xf32>,
    tpu.vector_store %arg12[%swap3A], %broadcast_in_dim3A_1 {strides = array<i32>} : memref<16xf32, #tpu.memory_space<vmem>>, vector<16xf32>,
    %scan3A = arith.constant 0 : i32
    %scan3A_3 = arith.constant 0 : i32
    %scan3A_4 = arith.constant 25 : i32
    %scan3A_5 = arith.addi %scan3A_3, %scan3A_4 : i32
    %scan3A_6 = arith.constant 1 : i32
    scf.for %scan3A_8 = %scan3A_3 to %scan3A_5 step %scan3A_6  : i32 {
      %mul3A_9 = arith.constant 1600 : i32
      %mul3A_10 = arith.muli %add3A, %mul3A_9 : i32
      %mul3A_11 = arith.constant 64 : i32
      %mul3A_12 = arith.muli %scan3A_8, %mul3A_11 : i32
      %add3A_13 = arith.addi %mul3A_10, %mul3A_12 : i32
      "tpu.region"() ({
        %run_scoped3A_85 = tpu.sem_alloc : memref<!tpu.dma_semaphore, #tpu.memory_space<semaphore_mem>>
        %dma_start3A_86 = tpu.memref_slice %arg2[%add3A_13] : memref<51200xi32, #tpu.memory_space<hbm>> -> memref<64xi32, #tpu.memory_space<hbm>>
        %dma_start3A_87 = tpu.memref_slice %arg2[%add3A_13] : memref<51200xi32, #tpu.memory_space<hbm>> -> memref<64xi32, #tpu.memory_space<hbm>>
        tpu.enqueue_dma source(%dma_start3A_87 : memref<64xi32, #tpu.memory_space<hbm>>) target(%arg8 : memref<64xi32, #tpu.memory_space<vmem>>) target_semaphore(%run_scoped3A_85 : memref<!tpu.dma_semaphore, #tpu.memory_space<semaphore_mem>>)
        %dma_wait3A_88 = tpu.memref_slice %arg2[%add3A_13] : memref<51200xi32, #tpu.memory_space<hbm>> -> memref<64xi32, #tpu.memory_space<hbm>>
        %dma_wait3A_89 = tpu.memref_slice %arg2[%add3A_13] : memref<51200xi32, #tpu.memory_space<hbm>> -> memref<64xi32, #tpu.memory_space<hbm>>
        tpu.wait_dma2 semaphore(%run_scoped3A_85 : memref<!tpu.dma_semaphore, #tpu.memory_space<semaphore_mem>>) src(%dma_wait3A_89 : memref<64xi32, #tpu.memory_space<hbm>>) dst(%arg8 : memref<64xi32, #tpu.memory_space<vmem>>)
        tpu.yield
      }) : () -> ()
      "tpu.region"() ({
        %run_scoped3A_85 = tpu.sem_alloc : memref<!tpu.dma_semaphore, #tpu.memory_space<semaphore_mem>>
        %dma_start3A_86 = tpu.memref_slice %arg3[%add3A_13] : memref<51200xi32, #tpu.memory_space<hbm>> -> memref<64xi32, #tpu.memory_space<hbm>>
        %dma_start3A_87 = tpu.memref_slice %arg3[%add3A_13] : memref<51200xi32, #tpu.memory_space<hbm>> -> memref<64xi32, #tpu.memory_space<hbm>>
        tpu.enqueue_dma source(%dma_start3A_87 : memref<64xi32, #tpu.memory_space<hbm>>) target(%arg9 : memref<64xi32, #tpu.memory_space<vmem>>) target_semaphore(%run_scoped3A_85 : memref<!tpu.dma_semaphore, #tpu.memory_space<semaphore_mem>>)
        %dma_wait3A_88 = tpu.memref_slice %arg3[%add3A_13] : memref<51200xi32, #tpu.memory_space<hbm>> -> memref<64xi32, #tpu.memory_space<hbm>>
        %dma_wait3A_89 = tpu.memref_slice %arg3[%add3A_13] : memref<51200xi32, #tpu.memory_space<hbm>> -> memref<64xi32, #tpu.memory_space<hbm>>
        tpu.wait_dma2 semaphore(%run_scoped3A_85 : memref<!tpu.dma_semaphore, #tpu.memory_space<semaphore_mem>>) src(%dma_wait3A_89 : memref<64xi32, #tpu.memory_space<hbm>>) dst(%arg9 : memref<64xi32, #tpu.memory_space<vmem>>)
        tpu.yield
      }) : () -> ()
      %dma_start3A = arith.constant 0 : i32
      %dma_start3A_14 = arith.constant 0 : i32
      %dma_start3A_15 = tpu.memref_slice %arg4[%dma_start3A, %dma_start3A_14] : memref<1000x1024xf32, #tpu.memory_space<hbm>> -> memref<1000x1024xf32, #tpu.memory_space<hbm>>
      tpu.enqueue_indirect_dma source(%dma_start3A_15 : memref<1000x1024xf32, #tpu.memory_space<hbm>>) target(%arg10 : memref<64x1024xf32, #tpu.memory_space<vmem>>) offsets(%arg8 : memref<64xi32, #tpu.memory_space<vmem>>) semaphore(%arg13 : memref<!tpu.dma_semaphore, #tpu.memory_space<semaphore_mem>>)
      %dma_wait3A = arith.constant 0 : i32
      %dma_wait3A_16 = arith.constant 0 : i32
      %dma_wait3A_17 = tpu.memref_slice %arg4[%dma_wait3A, %dma_wait3A_16] : memref<1000x1024xf32, #tpu.memory_space<hbm>> -> memref<1000x1024xf32, #tpu.memory_space<hbm>>
      tpu.wait_indirect_dma semaphore(%arg13 : memref<!tpu.dma_semaphore, #tpu.memory_space<semaphore_mem>>) src(%dma_wait3A_17 : memref<1000x1024xf32, #tpu.memory_space<hbm>>) dst(%arg10 : memref<64x1024xf32, #tpu.memory_space<vmem>>)
      %run_scoped3A = arith.constant 0 : i32
      "tpu.region"() ({
        %run_scoped3A_85 = tpu.sem_alloc : memref<!tpu.dma_semaphore, #tpu.memory_space<semaphore_mem>>
        %dma_start3A_86 = arith.constant 0 : i32
        %dma_start3A_87 = arith.constant 0 : i32
        %dma_start3A_88 = tpu.memref_slice %arg10[%dma_start3A_86, %dma_start3A_87] : memref<64x1024xf32, #tpu.memory_space<vmem>> -> memref<64x128xf32, #tpu.memory_space<vmem>>
        %dma_start3A_89 = arith.constant 0 : i32
        %dma_start3A_90 = tpu.memref_slice %arg6[%run_scoped3A, %add3A_13, %dma_start3A_89] : memref<8x51200x128xf32, #tpu.memory_space<hbm>> -> memref<1x64x128xf32, #tpu.memory_space<hbm>>
        %dma_start3A_91 = tpu.memref_squeeze %dma_start3A_90 : memref<1x64x128xf32, #tpu.memory_space<hbm>> -> memref<64x128xf32, #tpu.memory_space<hbm>>
        %dma_start3A_92 = arith.constant 0 : i32
        %dma_start3A_93 = tpu.memref_slice %arg6[%run_scoped3A, %add3A_13, %dma_start3A_92] : memref<8x51200x128xf32, #tpu.memory_space<hbm>> -> memref<1x64x128xf32, #tpu.memory_space<hbm>>
        %dma_start3A_94 = tpu.memref_squeeze %dma_start3A_93 : memref<1x64x128xf32, #tpu.memory_space<hbm>> -> memref<64x128xf32, #tpu.memory_space<hbm>>
        %dma_start3A_95 = arith.constant 0 : i32
        %dma_start3A_96 = arith.constant 0 : i32
        %dma_start3A_97 = tpu.memref_slice %arg10[%dma_start3A_95, %dma_start3A_96] : memref<64x1024xf32, #tpu.memory_space<vmem>> -> memref<64x128xf32, #tpu.memory_space<vmem>>
        tpu.enqueue_dma source(%dma_start3A_97 : memref<64x128xf32, #tpu.memory_space<vmem>>) target(%dma_start3A_94 : memref<64x128xf32, #tpu.memory_space<hbm>>) target_semaphore(%run_scoped3A_85 : memref<!tpu.dma_semaphore, #tpu.memory_space<semaphore_mem>>)
        %dma_wait3A_98 = arith.constant 0 : i32
        %dma_wait3A_99 = arith.constant 0 : i32
        %dma_wait3A_100 = tpu.memref_slice %arg10[%dma_wait3A_98, %dma_wait3A_99] : memref<64x1024xf32, #tpu.memory_space<vmem>> -> memref<64x128xf32, #tpu.memory_space<vmem>>
        %dma_wait3A_101 = arith.constant 0 : i32
        %dma_wait3A_102 = tpu.memref_slice %arg6[%run_scoped3A, %add3A_13, %dma_wait3A_101] : memref<8x51200x128xf32, #tpu.memory_space<hbm>> -> memref<1x64x128xf32, #tpu.memory_space<hbm>>
        %dma_wait3A_103 = tpu.memref_squeeze %dma_wait3A_102 : memref<1x64x128xf32, #tpu.memory_space<hbm>> -> memref<64x128xf32, #tpu.memory_space<hbm>>
        %dma_wait3A_104 = arith.constant 0 : i32
        %dma_wait3A_105 = tpu.memref_slice %arg6[%run_scoped3A, %add3A_13, %dma_wait3A_104] : memref<8x51200x128xf32, #tpu.memory_space<hbm>> -> memref<1x64x128xf32, #tpu.memory_space<hbm>>
        %dma_wait3A_106 = tpu.memref_squeeze %dma_wait3A_105 : memref<1x64x128xf32, #tpu.memory_space<hbm>> -> memref<64x128xf32, #tpu.memory_space<hbm>>
        %dma_wait3A_107 = arith.constant 0 : i32
        %dma_wait3A_108 = arith.constant 0 : i32
        %dma_wait3A_109 = tpu.memref_slice %arg10[%dma_wait3A_107, %dma_wait3A_108] : memref<64x1024xf32, #tpu.memory_space<vmem>> -> memref<64x128xf32, #tpu.memory_space<vmem>>
        tpu.wait_dma2 semaphore(%run_scoped3A_85 : memref<!tpu.dma_semaphore, #tpu.memory_space<semaphore_mem>>) src(%dma_wait3A_109 : memref<64x128xf32, #tpu.memory_space<vmem>>) dst(%dma_wait3A_106 : memref<64x128xf32, #tpu.memory_space<hbm>>)
        tpu.yield
      }) : () -> ()
      %run_scoped3A_18 = arith.constant 1 : i32
      "tpu.region"() ({
        %run_scoped3A_85 = tpu.sem_alloc : memref<!tpu.dma_semaphore, #tpu.memory_space<semaphore_mem>>
        %dma_start3A_86 = arith.constant 0 : i32
        %dma_start3A_87 = arith.constant 128 : i32
        %dma_start3A_88 = tpu.memref_slice %arg10[%dma_start3A_86, %dma_start3A_87] : memref<64x1024xf32, #tpu.memory_space<vmem>> -> memref<64x128xf32, #tpu.memory_space<vmem>>
        %dma_start3A_89 = arith.constant 0 : i32
        %dma_start3A_90 = tpu.memref_slice %arg6[%run_scoped3A_18, %add3A_13, %dma_start3A_89] : memref<8x51200x128xf32, #tpu.memory_space<hbm>> -> memref<1x64x128xf32, #tpu.memory_space<hbm>>
        %dma_start3A_91 = tpu.memref_squeeze %dma_start3A_90 : memref<1x64x128xf32, #tpu.memory_space<hbm>> -> memref<64x128xf32, #tpu.memory_space<hbm>>
        %dma_start3A_92 = arith.constant 0 : i32
        %dma_start3A_93 = tpu.memref_slice %arg6[%run_scoped3A_18, %add3A_13, %dma_start3A_92] : memref<8x51200x128xf32, #tpu.memory_space<hbm>> -> memref<1x64x128xf32, #tpu.memory_space<hbm>>
        %dma_start3A_94 = tpu.memref_squeeze %dma_start3A_93 : memref<1x64x128xf32, #tpu.memory_space<hbm>> -> memref<64x128xf32, #tpu.memory_space<hbm>>
        %dma_start3A_95 = arith.constant 0 : i32
        %dma_start3A_96 = arith.constant 128 : i32
        %dma_start3A_97 = tpu.memref_slice %arg10[%dma_start3A_95, %dma_start3A_96] : memref<64x1024xf32, #tpu.memory_space<vmem>> -> memref<64x128xf32, #tpu.memory_space<vmem>>
        tpu.enqueue_dma source(%dma_start3A_97 : memref<64x128xf32, #tpu.memory_space<vmem>>) target(%dma_start3A_94 : memref<64x128xf32, #tpu.memory_space<hbm>>) target_semaphore(%run_scoped3A_85 : memref<!tpu.dma_semaphore, #tpu.memory_space<semaphore_mem>>)
        %dma_wait3A_98 = arith.constant 0 : i32
        %dma_wait3A_99 = arith.constant 128 : i32
        %dma_wait3A_100 = tpu.memref_slice %arg10[%dma_wait3A_98, %dma_wait3A_99] : memref<64x1024xf32, #tpu.memory_space<vmem>> -> memref<64x128xf32, #tpu.memory_space<vmem>>
        %dma_wait3A_101 = arith.constant 0 : i32
        %dma_wait3A_102 = tpu.memref_slice %arg6[%run_scoped3A_18, %add3A_13, %dma_wait3A_101] : memref<8x51200x128xf32, #tpu.memory_space<hbm>> -> memref<1x64x128xf32, #tpu.memory_space<hbm>>
        %dma_wait3A_103 = tpu.memref_squeeze %dma_wait3A_102 : memref<1x64x128xf32, #tpu.memory_space<hbm>> -> memref<64x128xf32, #tpu.memory_space<hbm>>
        %dma_wait3A_104 = arith.constant 0 : i32
        %dma_wait3A_105 = tpu.memref_slice %arg6[%run_scoped3A_18, %add3A_13, %dma_wait3A_104] : memref<8x51200x128xf32, #tpu.memory_space<hbm>> -> memref<1x64x128xf32, #tpu.memory_space<hbm>>
        %dma_wait3A_106 = tpu.memref_squeeze %dma_wait3A_105 : memref<1x64x128xf32, #tpu.memory_space<hbm>> -> memref<64x128xf32, #tpu.memory_space<hbm>>
        %dma_wait3A_107 = arith.constant 0 : i32
        %dma_wait3A_108 = arith.constant 128 : i32
        %dma_wait3A_109 = tpu.memref_slice %arg10[%dma_wait3A_107, %dma_wait3A_108] : memref<64x1024xf32, #tpu.memory_space<vmem>> -> memref<64x128xf32, #tpu.memory_space<vmem>>
        tpu.wait_dma2 semaphore(%run_scoped3A_85 : memref<!tpu.dma_semaphore, #tpu.memory_space<semaphore_mem>>) src(%dma_wait3A_109 : memref<64x128xf32, #tpu.memory_space<vmem>>) dst(%dma_wait3A_106 : memref<64x128xf32, #tpu.memory_space<hbm>>)
        tpu.yield
      }) : () -> ()
      %run_scoped3A_19 = arith.constant 2 : i32
      "tpu.region"() ({
        %run_scoped3A_85 = tpu.sem_alloc : memref<!tpu.dma_semaphore, #tpu.memory_space<semaphore_mem>>
        %dma_start3A_86 = arith.constant 0 : i32
        %dma_start3A_87 = arith.constant 256 : i32
        %dma_start3A_88 = tpu.memref_slice %arg10[%dma_start3A_86, %dma_start3A_87] : memref<64x1024xf32, #tpu.memory_space<vmem>> -> memref<64x128xf32, #tpu.memory_space<vmem>>
        %dma_start3A_89 = arith.constant 0 : i32
        %dma_start3A_90 = tpu.memref_slice %arg6[%run_scoped3A_19, %add3A_13, %dma_start3A_89] : memref<8x51200x128xf32, #tpu.memory_space<hbm>> -> memref<1x64x128xf32, #tpu.memory_space<hbm>>
        %dma_start3A_91 = tpu.memref_squeeze %dma_start3A_90 : memref<1x64x128xf32, #tpu.memory_space<hbm>> -> memref<64x128xf32, #tpu.memory_space<hbm>>
        %dma_start3A_92 = arith.constant 0 : i32
        %dma_start3A_93 = tpu.memref_slice %arg6[%run_scoped3A_19, %add3A_13, %dma_start3A_92] : memref<8x51200x128xf32, #tpu.memory_space<hbm>> -> memref<1x64x128xf32, #tpu.memory_space<hbm>>
        %dma_start3A_94 = tpu.memref_squeeze %dma_start3A_93 : memref<1x64x128xf32, #tpu.memory_space<hbm>> -> memref<64x128xf32, #tpu.memory_space<hbm>>
        %dma_start3A_95 = arith.constant 0 : i32
        %dma_start3A_96 = arith.constant 256 : i32
        %dma_start3A_97 = tpu.memref_slice %arg10[%dma_start3A_95, %dma_start3A_96] : memref<64x1024xf32, #tpu.memory_space<vmem>> -> memref<64x128xf32, #tpu.memory_space<vmem>>
        tpu.enqueue_dma source(%dma_start3A_97 : memref<64x128xf32, #tpu.memory_space<vmem>>) target(%dma_start3A_94 : memref<64x128xf32, #tpu.memory_space<hbm>>) target_semaphore(%run_scoped3A_85 : memref<!tpu.dma_semaphore, #tpu.memory_space<semaphore_mem>>)
        %dma_wait3A_98 = arith.constant 0 : i32
        %dma_wait3A_99 = arith.constant 256 : i32
        %dma_wait3A_100 = tpu.memref_slice %arg10[%dma_wait3A_98, %dma_wait3A_99] : memref<64x1024xf32, #tpu.memory_space<vmem>> -> memref<64x128xf32, #tpu.memory_space<vmem>>
        %dma_wait3A_101 = arith.constant 0 : i32
        %dma_wait3A_102 = tpu.memref_slice %arg6[%run_scoped3A_19, %add3A_13, %dma_wait3A_101] : memref<8x51200x128xf32, #tpu.memory_space<hbm>> -> memref<1x64x128xf32, #tpu.memory_space<hbm>>
        %dma_wait3A_103 = tpu.memref_squeeze %dma_wait3A_102 : memref<1x64x128xf32, #tpu.memory_space<hbm>> -> memref<64x128xf32, #tpu.memory_space<hbm>>
        %dma_wait3A_104 = arith.constant 0 : i32
        %dma_wait3A_105 = tpu.memref_slice %arg6[%run_scoped3A_19, %add3A_13, %dma_wait3A_104] : memref<8x51200x128xf32, #tpu.memory_space<hbm>> -> memref<1x64x128xf32, #tpu.memory_space<hbm>>
        %dma_wait3A_106 = tpu.memref_squeeze %dma_wait3A_105 : memref<1x64x128xf32, #tpu.memory_space<hbm>> -> memref<64x128xf32, #tpu.memory_space<hbm>>
        %dma_wait3A_107 = arith.constant 0 : i32
        %dma_wait3A_108 = arith.constant 256 : i32
        %dma_wait3A_109 = tpu.memref_slice %arg10[%dma_wait3A_107, %dma_wait3A_108] : memref<64x1024xf32, #tpu.memory_space<vmem>> -> memref<64x128xf32, #tpu.memory_space<vmem>>
        tpu.wait_dma2 semaphore(%run_scoped3A_85 : memref<!tpu.dma_semaphore, #tpu.memory_space<semaphore_mem>>) src(%dma_wait3A_109 : memref<64x128xf32, #tpu.memory_space<vmem>>) dst(%dma_wait3A_106 : memref<64x128xf32, #tpu.memory_space<hbm>>)
        tpu.yield
      }) : () -> ()
      %run_scoped3A_20 = arith.constant 3 : i32
      "tpu.region"() ({
        %run_scoped3A_85 = tpu.sem_alloc : memref<!tpu.dma_semaphore, #tpu.memory_space<semaphore_mem>>
        %dma_start3A_86 = arith.constant 0 : i32
        %dma_start3A_87 = arith.constant 384 : i32
        %dma_start3A_88 = tpu.memref_slice %arg10[%dma_start3A_86, %dma_start3A_87] : memref<64x1024xf32, #tpu.memory_space<vmem>> -> memref<64x128xf32, #tpu.memory_space<vmem>>
        %dma_start3A_89 = arith.constant 0 : i32
        %dma_start3A_90 = tpu.memref_slice %arg6[%run_scoped3A_20, %add3A_13, %dma_start3A_89] : memref<8x51200x128xf32, #tpu.memory_space<hbm>> -> memref<1x64x128xf32, #tpu.memory_space<hbm>>
        %dma_start3A_91 = tpu.memref_squeeze %dma_start3A_90 : memref<1x64x128xf32, #tpu.memory_space<hbm>> -> memref<64x128xf32, #tpu.memory_space<hbm>>
        %dma_start3A_92 = arith.constant 0 : i32
        %dma_start3A_93 = tpu.memref_slice %arg6[%run_scoped3A_20, %add3A_13, %dma_start3A_92] : memref<8x51200x128xf32, #tpu.memory_space<hbm>> -> memref<1x64x128xf32, #tpu.memory_space<hbm>>
        %dma_start3A_94 = tpu.memref_squeeze %dma_start3A_93 : memref<1x64x128xf32, #tpu.memory_space<hbm>> -> memref<64x128xf32, #tpu.memory_space<hbm>>
        %dma_start3A_95 = arith.constant 0 : i32
        %dma_start3A_96 = arith.constant 384 : i32
        %dma_start3A_97 = tpu.memref_slice %arg10[%dma_start3A_95, %dma_start3A_96] : memref<64x1024xf32, #tpu.memory_space<vmem>> -> memref<64x128xf32, #tpu.memory_space<vmem>>
        tpu.enqueue_dma source(%dma_start3A_97 : memref<64x128xf32, #tpu.memory_space<vmem>>) target(%dma_start3A_94 : memref<64x128xf32, #tpu.memory_space<hbm>>) target_semaphore(%run_scoped3A_85 : memref<!tpu.dma_semaphore, #tpu.memory_space<semaphore_mem>>)
        %dma_wait3A_98 = arith.constant 0 : i32
        %dma_wait3A_99 = arith.constant 384 : i32
        %dma_wait3A_100 = tpu.memref_slice %arg10[%dma_wait3A_98, %dma_wait3A_99] : memref<64x1024xf32, #tpu.memory_space<vmem>> -> memref<64x128xf32, #tpu.memory_space<vmem>>
        %dma_wait3A_101 = arith.constant 0 : i32
        %dma_wait3A_102 = tpu.memref_slice %arg6[%run_scoped3A_20, %add3A_13, %dma_wait3A_101] : memref<8x51200x128xf32, #tpu.memory_space<hbm>> -> memref<1x64x128xf32, #tpu.memory_space<hbm>>
        %dma_wait3A_103 = tpu.memref_squeeze %dma_wait3A_102 : memref<1x64x128xf32, #tpu.memory_space<hbm>> -> memref<64x128xf32, #tpu.memory_space<hbm>>
        %dma_wait3A_104 = arith.constant 0 : i32
        %dma_wait3A_105 = tpu.memref_slice %arg6[%run_scoped3A_20, %add3A_13, %dma_wait3A_104] : memref<8x51200x128xf32, #tpu.memory_space<hbm>> -> memref<1x64x128xf32, #tpu.memory_space<hbm>>
        %dma_wait3A_106 = tpu.memref_squeeze %dma_wait3A_105 : memref<1x64x128xf32, #tpu.memory_space<hbm>> -> memref<64x128xf32, #tpu.memory_space<hbm>>
        %dma_wait3A_107 = arith.constant 0 : i32
        %dma_wait3A_108 = arith.constant 384 : i32
        %dma_wait3A_109 = tpu.memref_slice %arg10[%dma_wait3A_107, %dma_wait3A_108] : memref<64x1024xf32, #tpu.memory_space<vmem>> -> memref<64x128xf32, #tpu.memory_space<vmem>>
        tpu.wait_dma2 semaphore(%run_scoped3A_85 : memref<!tpu.dma_semaphore, #tpu.memory_space<semaphore_mem>>) src(%dma_wait3A_109 : memref<64x128xf32, #tpu.memory_space<vmem>>) dst(%dma_wait3A_106 : memref<64x128xf32, #tpu.memory_space<hbm>>)
        tpu.yield
      }) : () -> ()
      %run_scoped3A_21 = arith.constant 4 : i32
      "tpu.region"() ({
        %run_scoped3A_85 = tpu.sem_alloc : memref<!tpu.dma_semaphore, #tpu.memory_space<semaphore_mem>>
        %dma_start3A_86 = arith.constant 0 : i32
        %dma_start3A_87 = arith.constant 512 : i32
        %dma_start3A_88 = tpu.memref_slice %arg10[%dma_start3A_86, %dma_start3A_87] : memref<64x1024xf32, #tpu.memory_space<vmem>> -> memref<64x128xf32, #tpu.memory_space<vmem>>
        %dma_start3A_89 = arith.constant 0 : i32
        %dma_start3A_90 = tpu.memref_slice %arg6[%run_scoped3A_21, %add3A_13, %dma_start3A_89] : memref<8x51200x128xf32, #tpu.memory_space<hbm>> -> memref<1x64x128xf32, #tpu.memory_space<hbm>>
        %dma_start3A_91 = tpu.memref_squeeze %dma_start3A_90 : memref<1x64x128xf32, #tpu.memory_space<hbm>> -> memref<64x128xf32, #tpu.memory_space<hbm>>
        %dma_start3A_92 = arith.constant 0 : i32
        %dma_start3A_93 = tpu.memref_slice %arg6[%run_scoped3A_21, %add3A_13, %dma_start3A_92] : memref<8x51200x128xf32, #tpu.memory_space<hbm>> -> memref<1x64x128xf32, #tpu.memory_space<hbm>>
        %dma_start3A_94 = tpu.memref_squeeze %dma_start3A_93 : memref<1x64x128xf32, #tpu.memory_space<hbm>> -> memref<64x128xf32, #tpu.memory_space<hbm>>
        %dma_start3A_95 = arith.constant 0 : i32
        %dma_start3A_96 = arith.constant 512 : i32
        %dma_start3A_97 = tpu.memref_slice %arg10[%dma_start3A_95, %dma_start3A_96] : memref<64x1024xf32, #tpu.memory_space<vmem>> -> memref<64x128xf32, #tpu.memory_space<vmem>>
        tpu.enqueue_dma source(%dma_start3A_97 : memref<64x128xf32, #tpu.memory_space<vmem>>) target(%dma_start3A_94 : memref<64x128xf32, #tpu.memory_space<hbm>>) target_semaphore(%run_scoped3A_85 : memref<!tpu.dma_semaphore, #tpu.memory_space<semaphore_mem>>)
        %dma_wait3A_98 = arith.constant 0 : i32
        %dma_wait3A_99 = arith.constant 512 : i32
        %dma_wait3A_100 = tpu.memref_slice %arg10[%dma_wait3A_98, %dma_wait3A_99] : memref<64x1024xf32, #tpu.memory_space<vmem>> -> memref<64x128xf32, #tpu.memory_space<vmem>>
        %dma_wait3A_101 = arith.constant 0 : i32
        %dma_wait3A_102 = tpu.memref_slice %arg6[%run_scoped3A_21, %add3A_13, %dma_wait3A_101] : memref<8x51200x128xf32, #tpu.memory_space<hbm>> -> memref<1x64x128xf32, #tpu.memory_space<hbm>>
        %dma_wait3A_103 = tpu.memref_squeeze %dma_wait3A_102 : memref<1x64x128xf32, #tpu.memory_space<hbm>> -> memref<64x128xf32, #tpu.memory_space<hbm>>
        %dma_wait3A_104 = arith.constant 0 : i32
        %dma_wait3A_105 = tpu.memref_slice %arg6[%run_scoped3A_21, %add3A_13, %dma_wait3A_104] : memref<8x51200x128xf32, #tpu.memory_space<hbm>> -> memref<1x64x128xf32, #tpu.memory_space<hbm>>
        %dma_wait3A_106 = tpu.memref_squeeze %dma_wait3A_105 : memref<1x64x128xf32, #tpu.memory_space<hbm>> -> memref<64x128xf32, #tpu.memory_space<hbm>>
        %dma_wait3A_107 = arith.constant 0 : i32
        %dma_wait3A_108 = arith.constant 512 : i32
        %dma_wait3A_109 = tpu.memref_slice %arg10[%dma_wait3A_107, %dma_wait3A_108] : memref<64x1024xf32, #tpu.memory_space<vmem>> -> memref<64x128xf32, #tpu.memory_space<vmem>>
        tpu.wait_dma2 semaphore(%run_scoped3A_85 : memref<!tpu.dma_semaphore, #tpu.memory_space<semaphore_mem>>) src(%dma_wait3A_109 : memref<64x128xf32, #tpu.memory_space<vmem>>) dst(%dma_wait3A_106 : memref<64x128xf32, #tpu.memory_space<hbm>>)
        tpu.yield
      }) : () -> ()
      %run_scoped3A_22 = arith.constant 5 : i32
      "tpu.region"() ({
        %run_scoped3A_85 = tpu.sem_alloc : memref<!tpu.dma_semaphore, #tpu.memory_space<semaphore_mem>>
        %dma_start3A_86 = arith.constant 0 : i32
        %dma_start3A_87 = arith.constant 640 : i32
        %dma_start3A_88 = tpu.memref_slice %arg10[%dma_start3A_86, %dma_start3A_87] : memref<64x1024xf32, #tpu.memory_space<vmem>> -> memref<64x128xf32, #tpu.memory_space<vmem>>
        %dma_start3A_89 = arith.constant 0 : i32
        %dma_start3A_90 = tpu.memref_slice %arg6[%run_scoped3A_22, %add3A_13, %dma_start3A_89] : memref<8x51200x128xf32, #tpu.memory_space<hbm>> -> memref<1x64x128xf32, #tpu.memory_space<hbm>>
        %dma_start3A_91 = tpu.memref_squeeze %dma_start3A_90 : memref<1x64x128xf32, #tpu.memory_space<hbm>> -> memref<64x128xf32, #tpu.memory_space<hbm>>
        %dma_start3A_92 = arith.constant 0 : i32
        %dma_start3A_93 = tpu.memref_slice %arg6[%run_scoped3A_22, %add3A_13, %dma_start3A_92] : memref<8x51200x128xf32, #tpu.memory_space<hbm>> -> memref<1x64x128xf32, #tpu.memory_space<hbm>>
        %dma_start3A_94 = tpu.memref_squeeze %dma_start3A_93 : memref<1x64x128xf32, #tpu.memory_space<hbm>> -> memref<64x128xf32, #tpu.memory_space<hbm>>
        %dma_start3A_95 = arith.constant 0 : i32
        %dma_start3A_96 = arith.constant 640 : i32
        %dma_start3A_97 = tpu.memref_slice %arg10[%dma_start3A_95, %dma_start3A_96] : memref<64x1024xf32, #tpu.memory_space<vmem>> -> memref<64x128xf32, #tpu.memory_space<vmem>>
        tpu.enqueue_dma source(%dma_start3A_97 : memref<64x128xf32, #tpu.memory_space<vmem>>) target(%dma_start3A_94 : memref<64x128xf32, #tpu.memory_space<hbm>>) target_semaphore(%run_scoped3A_85 : memref<!tpu.dma_semaphore, #tpu.memory_space<semaphore_mem>>)
        %dma_wait3A_98 = arith.constant 0 : i32
        %dma_wait3A_99 = arith.constant 640 : i32
        %dma_wait3A_100 = tpu.memref_slice %arg10[%dma_wait3A_98, %dma_wait3A_99] : memref<64x1024xf32, #tpu.memory_space<vmem>> -> memref<64x128xf32, #tpu.memory_space<vmem>>
        %dma_wait3A_101 = arith.constant 0 : i32
        %dma_wait3A_102 = tpu.memref_slice %arg6[%run_scoped3A_22, %add3A_13, %dma_wait3A_101] : memref<8x51200x128xf32, #tpu.memory_space<hbm>> -> memref<1x64x128xf32, #tpu.memory_space<hbm>>
        %dma_wait3A_103 = tpu.memref_squeeze %dma_wait3A_102 : memref<1x64x128xf32, #tpu.memory_space<hbm>> -> memref<64x128xf32, #tpu.memory_space<hbm>>
        %dma_wait3A_104 = arith.constant 0 : i32
        %dma_wait3A_105 = tpu.memref_slice %arg6[%run_scoped3A_22, %add3A_13, %dma_wait3A_104] : memref<8x51200x128xf32, #tpu.memory_space<hbm>> -> memref<1x64x128xf32, #tpu.memory_space<hbm>>
        %dma_wait3A_106 = tpu.memref_squeeze %dma_wait3A_105 : memref<1x64x128xf32, #tpu.memory_space<hbm>> -> memref<64x128xf32, #tpu.memory_space<hbm>>
        %dma_wait3A_107 = arith.constant 0 : i32
        %dma_wait3A_108 = arith.constant 640 : i32
        %dma_wait3A_109 = tpu.memref_slice %arg10[%dma_wait3A_107, %dma_wait3A_108] : memref<64x1024xf32, #tpu.memory_space<vmem>> -> memref<64x128xf32, #tpu.memory_space<vmem>>
        tpu.wait_dma2 semaphore(%run_scoped3A_85 : memref<!tpu.dma_semaphore, #tpu.memory_space<semaphore_mem>>) src(%dma_wait3A_109 : memref<64x128xf32, #tpu.memory_space<vmem>>) dst(%dma_wait3A_106 : memref<64x128xf32, #tpu.memory_space<hbm>>)
        tpu.yield
      }) : () -> ()
      %run_scoped3A_23 = arith.constant 6 : i32
      "tpu.region"() ({
        %run_scoped3A_85 = tpu.sem_alloc : memref<!tpu.dma_semaphore, #tpu.memory_space<semaphore_mem>>
        %dma_start3A_86 = arith.constant 0 : i32
        %dma_start3A_87 = arith.constant 768 : i32
        %dma_start3A_88 = tpu.memref_slice %arg10[%dma_start3A_86, %dma_start3A_87] : memref<64x1024xf32, #tpu.memory_space<vmem>> -> memref<64x128xf32, #tpu.memory_space<vmem>>
        %dma_start3A_89 = arith.constant 0 : i32
        %dma_start3A_90 = tpu.memref_slice %arg6[%run_scoped3A_23, %add3A_13, %dma_start3A_89] : memref<8x51200x128xf32, #tpu.memory_space<hbm>> -> memref<1x64x128xf32, #tpu.memory_space<hbm>>
        %dma_start3A_91 = tpu.memref_squeeze %dma_start3A_90 : memref<1x64x128xf32, #tpu.memory_space<hbm>> -> memref<64x128xf32, #tpu.memory_space<hbm>>
        %dma_start3A_92 = arith.constant 0 : i32
        %dma_start3A_93 = tpu.memref_slice %arg6[%run_scoped3A_23, %add3A_13, %dma_start3A_92] : memref<8x51200x128xf32, #tpu.memory_space<hbm>> -> memref<1x64x128xf32, #tpu.memory_space<hbm>>
        %dma_start3A_94 = tpu.memref_squeeze %dma_start3A_93 : memref<1x64x128xf32, #tpu.memory_space<hbm>> -> memref<64x128xf32, #tpu.memory_space<hbm>>
        %dma_start3A_95 = arith.constant 0 : i32
        %dma_start3A_96 = arith.constant 768 : i32
        %dma_start3A_97 = tpu.memref_slice %arg10[%dma_start3A_95, %dma_start3A_96] : memref<64x1024xf32, #tpu.memory_space<vmem>> -> memref<64x128xf32, #tpu.memory_space<vmem>>
        tpu.enqueue_dma source(%dma_start3A_97 : memref<64x128xf32, #tpu.memory_space<vmem>>) target(%dma_start3A_94 : memref<64x128xf32, #tpu.memory_space<hbm>>) target_semaphore(%run_scoped3A_85 : memref<!tpu.dma_semaphore, #tpu.memory_space<semaphore_mem>>)
        %dma_wait3A_98 = arith.constant 0 : i32
        %dma_wait3A_99 = arith.constant 768 : i32
        %dma_wait3A_100 = tpu.memref_slice %arg10[%dma_wait3A_98, %dma_wait3A_99] : memref<64x1024xf32, #tpu.memory_space<vmem>> -> memref<64x128xf32, #tpu.memory_space<vmem>>
        %dma_wait3A_101 = arith.constant 0 : i32
        %dma_wait3A_102 = tpu.memref_slice %arg6[%run_scoped3A_23, %add3A_13, %dma_wait3A_101] : memref<8x51200x128xf32, #tpu.memory_space<hbm>> -> memref<1x64x128xf32, #tpu.memory_space<hbm>>
        %dma_wait3A_103 = tpu.memref_squeeze %dma_wait3A_102 : memref<1x64x128xf32, #tpu.memory_space<hbm>> -> memref<64x128xf32, #tpu.memory_space<hbm>>
        %dma_wait3A_104 = arith.constant 0 : i32
        %dma_wait3A_105 = tpu.memref_slice %arg6[%run_scoped3A_23, %add3A_13, %dma_wait3A_104] : memref<8x51200x128xf32, #tpu.memory_space<hbm>> -> memref<1x64x128xf32, #tpu.memory_space<hbm>>
        %dma_wait3A_106 = tpu.memref_squeeze %dma_wait3A_105 : memref<1x64x128xf32, #tpu.memory_space<hbm>> -> memref<64x128xf32, #tpu.memory_space<hbm>>
        %dma_wait3A_107 = arith.constant 0 : i32
        %dma_wait3A_108 = arith.constant 768 : i32
        %dma_wait3A_109 = tpu.memref_slice %arg10[%dma_wait3A_107, %dma_wait3A_108] : memref<64x1024xf32, #tpu.memory_space<vmem>> -> memref<64x128xf32, #tpu.memory_space<vmem>>
        tpu.wait_dma2 semaphore(%run_scoped3A_85 : memref<!tpu.dma_semaphore, #tpu.memory_space<semaphore_mem>>) src(%dma_wait3A_109 : memref<64x128xf32, #tpu.memory_space<vmem>>) dst(%dma_wait3A_106 : memref<64x128xf32, #tpu.memory_space<hbm>>)
        tpu.yield
      }) : () -> ()
      %run_scoped3A_24 = arith.constant 7 : i32
      "tpu.region"() ({
        %run_scoped3A_85 = tpu.sem_alloc : memref<!tpu.dma_semaphore, #tpu.memory_space<semaphore_mem>>
        %dma_start3A_86 = arith.constant 0 : i32
        %dma_start3A_87 = arith.constant 896 : i32
        %dma_start3A_88 = tpu.memref_slice %arg10[%dma_start3A_86, %dma_start3A_87] : memref<64x1024xf32, #tpu.memory_space<vmem>> -> memref<64x128xf32, #tpu.memory_space<vmem>>
        %dma_start3A_89 = arith.constant 0 : i32
        %dma_start3A_90 = tpu.memref_slice %arg6[%run_scoped3A_24, %add3A_13, %dma_start3A_89] : memref<8x51200x128xf32, #tpu.memory_space<hbm>> -> memref<1x64x128xf32, #tpu.memory_space<hbm>>
        %dma_start3A_91 = tpu.memref_squeeze %dma_start3A_90 : memref<1x64x128xf32, #tpu.memory_space<hbm>> -> memref<64x128xf32, #tpu.memory_space<hbm>>
        %dma_start3A_92 = arith.constant 0 : i32
        %dma_start3A_93 = tpu.memref_slice %arg6[%run_scoped3A_24, %add3A_13, %dma_start3A_92] : memref<8x51200x128xf32, #tpu.memory_space<hbm>> -> memref<1x64x128xf32, #tpu.memory_space<hbm>>
        %dma_start3A_94 = tpu.memref_squeeze %dma_start3A_93 : memref<1x64x128xf32, #tpu.memory_space<hbm>> -> memref<64x128xf32, #tpu.memory_space<hbm>>
        %dma_start3A_95 = arith.constant 0 : i32
        %dma_start3A_96 = arith.constant 896 : i32
        %dma_start3A_97 = tpu.memref_slice %arg10[%dma_start3A_95, %dma_start3A_96] : memref<64x1024xf32, #tpu.memory_space<vmem>> -> memref<64x128xf32, #tpu.memory_space<vmem>>
        tpu.enqueue_dma source(%dma_start3A_97 : memref<64x128xf32, #tpu.memory_space<vmem>>) target(%dma_start3A_94 : memref<64x128xf32, #tpu.memory_space<hbm>>) target_semaphore(%run_scoped3A_85 : memref<!tpu.dma_semaphore, #tpu.memory_space<semaphore_mem>>)
        %dma_wait3A_98 = arith.constant 0 : i32
        %dma_wait3A_99 = arith.constant 896 : i32
        %dma_wait3A_100 = tpu.memref_slice %arg10[%dma_wait3A_98, %dma_wait3A_99] : memref<64x1024xf32, #tpu.memory_space<vmem>> -> memref<64x128xf32, #tpu.memory_space<vmem>>
        %dma_wait3A_101 = arith.constant 0 : i32
        %dma_wait3A_102 = tpu.memref_slice %arg6[%run_scoped3A_24, %add3A_13, %dma_wait3A_101] : memref<8x51200x128xf32, #tpu.memory_space<hbm>> -> memref<1x64x128xf32, #tpu.memory_space<hbm>>
        %dma_wait3A_103 = tpu.memref_squeeze %dma_wait3A_102 : memref<1x64x128xf32, #tpu.memory_space<hbm>> -> memref<64x128xf32, #tpu.memory_space<hbm>>
        %dma_wait3A_104 = arith.constant 0 : i32
        %dma_wait3A_105 = tpu.memref_slice %arg6[%run_scoped3A_24, %add3A_13, %dma_wait3A_104] : memref<8x51200x128xf32, #tpu.memory_space<hbm>> -> memref<1x64x128xf32, #tpu.memory_space<hbm>>
        %dma_wait3A_106 = tpu.memref_squeeze %dma_wait3A_105 : memref<1x64x128xf32, #tpu.memory_space<hbm>> -> memref<64x128xf32, #tpu.memory_space<hbm>>
        %dma_wait3A_107 = arith.constant 0 : i32
        %dma_wait3A_108 = arith.constant 896 : i32
        %dma_wait3A_109 = tpu.memref_slice %arg10[%dma_wait3A_107, %dma_wait3A_108] : memref<64x1024xf32, #tpu.memory_space<vmem>> -> memref<64x128xf32, #tpu.memory_space<vmem>>
        tpu.wait_dma2 semaphore(%run_scoped3A_85 : memref<!tpu.dma_semaphore, #tpu.memory_space<semaphore_mem>>) src(%dma_wait3A_109 : memref<64x128xf32, #tpu.memory_space<vmem>>) dst(%dma_wait3A_106 : memref<64x128xf32, #tpu.memory_space<hbm>>)
        tpu.yield
      }) : () -> ()
      %iota3A = tpu.iota {dimensions = array<i32: 0>} : vector<16xi32>
      %add3A_25 = arith.constant 0 : i32
      %add3A_26 = vector.broadcast %add3A_25 : i32 to vector<16xi32>
      %add3A_27 = arith.addi %iota3A, %add3A_26 : vector<16xi32>
      %get3A = arith.constant 0 : index
      %get3A_28 = tpu.vector_load %arg8[%get3A] {strides = array<i32>} : memref<64xi32, #tpu.memory_space<vmem>>, vector<16xi32>,
      %get3A_29 = arith.constant 0 : index
      %get3A_30 = tpu.vector_load %arg9[%get3A_29] {strides = array<i32>} : memref<64xi32, #tpu.memory_space<vmem>>, vector<16xi32>,
      %gather3A = tpu.vector_load_idx %arg11[%get3A_28] : memref<1024xf32, #tpu.memory_space<vmem>>[vector<16xi32>], vector<16xf32>,
      %gather3A_31 = tpu.vector_load_idx %arg10[%add3A_27, %get3A_30] : memref<64x1024xf32, #tpu.memory_space<vmem>>[vector<16xi32>, vector<16xi32>], vector<16xf32>,
      %get3A_32 = arith.constant 0 : index
      %get3A_33 = tpu.vector_load %arg12[%get3A_32] {strides = array<i32>} : memref<16xf32, #tpu.memory_space<vmem>>, vector<16xf32>,
      %sub3A = arith.subf %gather3A, %gather3A_31 : vector<16xf32>
      %add3A_34 = arith.addf %get3A_33, %sub3A : vector<16xf32>
      %swap3A_35 = arith.constant 0 : index
      %swap3A_36 = tpu.vector_load %arg12[%swap3A_35] {strides = array<i32>} : memref<16xf32, #tpu.memory_space<vmem>>, vector<16xf32>,
      tpu.vector_store %arg12[%swap3A_35], %add3A_34 {strides = array<i32>} : memref<16xf32, #tpu.memory_space<vmem>>, vector<16xf32>,
      %iota3A_37 = tpu.iota {dimensions = array<i32: 0>} : vector<16xi32>
      %add3A_38 = arith.constant 16 : i32
      %add3A_39 = vector.broadcast %add3A_38 : i32 to vector<16xi32>
      %add3A_40 = arith.addi %iota3A_37, %add3A_39 : vector<16xi32>
      %get3A_41 = arith.constant 16 : index
      %get3A_42 = tpu.vector_load %arg8[%get3A_41] {strides = array<i32>} : memref<64xi32, #tpu.memory_space<vmem>>, vector<16xi32>,
      %get3A_43 = arith.constant 16 : index
      %get3A_44 = tpu.vector_load %arg9[%get3A_43] {strides = array<i32>} : memref<64xi32, #tpu.memory_space<vmem>>, vector<16xi32>,
      %gather3A_45 = tpu.vector_load_idx %arg11[%get3A_42] : memref<1024xf32, #tpu.memory_space<vmem>>[vector<16xi32>], vector<16xf32>,
      %gather3A_46 = tpu.vector_load_idx %arg10[%add3A_40, %get3A_44] : memref<64x1024xf32, #tpu.memory_space<vmem>>[vector<16xi32>, vector<16xi32>], vector<16xf32>,
      %get3A_47 = arith.constant 0 : index
      %get3A_48 = tpu.vector_load %arg12[%get3A_47] {strides = array<i32>} : memref<16xf32, #tpu.memory_space<vmem>>, vector<16xf32>,
      %sub3A_49 = arith.subf %gather3A_45, %gather3A_46 : vector<16xf32>
      %add3A_50 = arith.addf %get3A_48, %sub3A_49 : vector<16xf32>
      %swap3A_51 = arith.constant 0 : index
      %swap3A_52 = tpu.vector_load %arg12[%swap3A_51] {strides = array<i32>} : memref<16xf32, #tpu.memory_space<vmem>>, vector<16xf32>,
      tpu.vector_store %arg12[%swap3A_51], %add3A_50 {strides = array<i32>} : memref<16xf32, #tpu.memory_space<vmem>>, vector<16xf32>,
      %iota3A_53 = tpu.iota {dimensions = array<i32: 0>} : vector<16xi32>
      %add3A_54 = arith.constant 32 : i32
      %add3A_55 = vector.broadcast %add3A_54 : i32 to vector<16xi32>
      %add3A_56 = arith.addi %iota3A_53, %add3A_55 : vector<16xi32>
      %get3A_57 = arith.constant 32 : index
      %get3A_58 = tpu.vector_load %arg8[%get3A_57] {strides = array<i32>} : memref<64xi32, #tpu.memory_space<vmem>>, vector<16xi32>,
      %get3A_59 = arith.constant 32 : index
      %get3A_60 = tpu.vector_load %arg9[%get3A_59] {strides = array<i32>} : memref<64xi32, #tpu.memory_space<vmem>>, vector<16xi32>,
      %gather3A_61 = tpu.vector_load_idx %arg11[%get3A_58] : memref<1024xf32, #tpu.memory_space<vmem>>[vector<16xi32>], vector<16xf32>,
      %gather3A_62 = tpu.vector_load_idx %arg10[%add3A_56, %get3A_60] : memref<64x1024xf32, #tpu.memory_space<vmem>>[vector<16xi32>, vector<16xi32>], vector<16xf32>,
      %get3A_63 = arith.constant 0 : index
      %get3A_64 = tpu.vector_load %arg12[%get3A_63] {strides = array<i32>} : memref<16xf32, #tpu.memory_space<vmem>>, vector<16xf32>,
      %sub3A_65 = arith.subf %gather3A_61, %gather3A_62 : vector<16xf32>
      %add3A_66 = arith.addf %get3A_64, %sub3A_65 : vector<16xf32>
      %swap3A_67 = arith.constant 0 : index
      %swap3A_68 = tpu.vector_load %arg12[%swap3A_67] {strides = array<i32>} : memref<16xf32, #tpu.memory_space<vmem>>, vector<16xf32>,
      tpu.vector_store %arg12[%swap3A_67], %add3A_66 {strides = array<i32>} : memref<16xf32, #tpu.memory_space<vmem>>, vector<16xf32>,
      %iota3A_69 = tpu.iota {dimensions = array<i32: 0>} : vector<16xi32>
      %add3A_70 = arith.constant 48 : i32
      %add3A_71 = vector.broadcast %add3A_70 : i32 to vector<16xi32>
      %add3A_72 = arith.addi %iota3A_69, %add3A_71 : vector<16xi32>
      %get3A_73 = arith.constant 48 : index
      %get3A_74 = tpu.vector_load %arg8[%get3A_73] {strides = array<i32>} : memref<64xi32, #tpu.memory_space<vmem>>, vector<16xi32>,
      %get3A_75 = arith.constant 48 : index
      %get3A_76 = tpu.vector_load %arg9[%get3A_75] {strides = array<i32>} : memref<64xi32, #tpu.memory_space<vmem>>, vector<16xi32>,
      %gather3A_77 = tpu.vector_load_idx %arg11[%get3A_74] : memref<1024xf32, #tpu.memory_space<vmem>>[vector<16xi32>], vector<16xf32>,
      %gather3A_78 = tpu.vector_load_idx %arg10[%add3A_72, %get3A_76] : memref<64x1024xf32, #tpu.memory_space<vmem>>[vector<16xi32>, vector<16xi32>], vector<16xf32>,
      %get3A_79 = arith.constant 0 : index
      %get3A_80 = tpu.vector_load %arg12[%get3A_79] {strides = array<i32>} : memref<16xf32, #tpu.memory_space<vmem>>, vector<16xf32>,
      %sub3A_81 = arith.subf %gather3A_77, %gather3A_78 : vector<16xf32>
      %add3A_82 = arith.addf %get3A_80, %sub3A_81 : vector<16xf32>
      %swap3A_83 = arith.constant 0 : index
      %swap3A_84 = tpu.vector_load %arg12[%swap3A_83] {strides = array<i32>} : memref<16xf32, #tpu.memory_space<vmem>>, vector<16xf32>,
      tpu.vector_store %arg12[%swap3A_83], %add3A_82 {strides = array<i32>} : memref<16xf32, #tpu.memory_space<vmem>>, vector<16xf32>,
    }
    %scan3A_7 = arith.constant 25 : i32
    "tpu.region"() ({
      %run_scoped3A = tpu.sem_alloc : memref<!tpu.dma_semaphore, #tpu.memory_space<semaphore_mem>>
      %dma_start3A = arith.constant 0 : i32
      %dma_start3A_8 = tpu.memref_slice %arg7[%add3A, %dma_start3A] : memref<32x16xf32, #tpu.memory_space<hbm>> -> memref<1x16xf32, #tpu.memory_space<hbm>>
      %dma_start3A_9 = tpu.memref_squeeze %dma_start3A_8 : memref<1x16xf32, #tpu.memory_space<hbm>> -> memref<16xf32, #tpu.memory_space<hbm>>
      %dma_start3A_10 = arith.constant 0 : i32
      %dma_start3A_11 = tpu.memref_slice %arg7[%add3A, %dma_start3A_10] : memref<32x16xf32, #tpu.memory_space<hbm>> -> memref<1x16xf32, #tpu.memory_space<hbm>>
      %dma_start3A_12 = tpu.memref_squeeze %dma_start3A_11 : memref<1x16xf32, #tpu.memory_space<hbm>> -> memref<16xf32, #tpu.memory_space<hbm>>
      tpu.enqueue_dma source(%arg12 : memref<16xf32, #tpu.memory_space<vmem>>) target(%dma_start3A_12 : memref<16xf32, #tpu.memory_space<hbm>>) target_semaphore(%run_scoped3A : memref<!tpu.dma_semaphore, #tpu.memory_space<semaphore_mem>>)
      %dma_wait3A = arith.constant 0 : i32
      %dma_wait3A_13 = tpu.memref_slice %arg7[%add3A, %dma_wait3A] : memref<32x16xf32, #tpu.memory_space<hbm>> -> memref<1x16xf32, #tpu.memory_space<hbm>>
      %dma_wait3A_14 = tpu.memref_squeeze %dma_wait3A_13 : memref<1x16xf32, #tpu.memory_space<hbm>> -> memref<16xf32, #tpu.memory_space<hbm>>
      %dma_wait3A_15 = arith.constant 0 : i32
      %dma_wait3A_16 = tpu.memref_slice %arg7[%add3A, %dma_wait3A_15] : memref<32x16xf32, #tpu.memory_space<hbm>> -> memref<1x16xf32, #tpu.memory_space<hbm>>
      %dma_wait3A_17 = tpu.memref_squeeze %dma_wait3A_16 : memref<1x16xf32, #tpu.memory_space<hbm>> -> memref<16xf32, #tpu.memory_space<hbm>>
      tpu.wait_dma2 semaphore(%run_scoped3A : memref<!tpu.dma_semaphore, #tpu.memory_space<semaphore_mem>>) src(%arg12 : memref<16xf32, #tpu.memory_space<vmem>>) dst(%dma_wait3A_17 : memref<16xf32, #tpu.memory_space<hbm>>)
      tpu.yield
    }) : () -> ()
    return
  }
}

module attributes {stable_mosaic.version = 14 : i64} {
  func.func @_lse_body(%arg0: memref<1000x1000xf32, #tpu.memory_space<vmem>>, %arg1: memref<1000x1xf32, #tpu.memory_space<vmem>>) attributes {dimension_semantics = [], scalar_prefetch = 0 : i64, scratch_operands = 0 : i64, tpu.core_type = #tpu.core_type<tc>} {
    %get3A = arith.constant 0 : index
    %get3A_0 = arith.constant 0 : index
    %get3A_1 = vector.load %arg0[%get3A, %get3A_0] : memref<1000x1000xf32, #tpu.memory_space<vmem>>, vector<1000x1000xf32>
    %reduce_max3A = arith.constant dense<0xFF800000> : vector<1000xf32>
    %reduce_max3A_2 = vector.multi_reduction <maximumf>, %get3A_1, %reduce_max3A [1] : vector<1000x1000xf32> to vector<1000xf32>
    %broadcast_in_dim3A = vector.shape_cast %reduce_max3A_2 : vector<1000xf32> to vector<1000x1xf32>
    %sub3A = vector.broadcast %broadcast_in_dim3A : vector<1000x1xf32> to vector<1000x1000xf32>
    %sub3A_3 = arith.subf %get3A_1, %sub3A : vector<1000x1000xf32>
    %exp3A = math.exp %sub3A_3 : vector<1000x1000xf32>
    %reduce_sum3A = arith.constant dense<0.000000e+00> : vector<1000xf32>
    %reduce_sum3A_4 = vector.multi_reduction <add>, %exp3A, %reduce_sum3A [1] : vector<1000x1000xf32> to vector<1000xf32>
    %broadcast_in_dim3A_5 = vector.shape_cast %reduce_sum3A_4 : vector<1000xf32> to vector<1000x1xf32>
    %log3A = math.log %broadcast_in_dim3A_5 : vector<1000x1xf32>
    %add3A = arith.addf %broadcast_in_dim3A, %log3A : vector<1000x1xf32>
    %swap3A = arith.constant 0 : index
    %swap3A_6 = arith.constant 0 : index
    %swap3A_7 = vector.load %arg1[%swap3A, %swap3A_6] : memref<1000x1xf32, #tpu.memory_space<vmem>>, vector<1000x1xf32>
    tpu.vector_store %arg1[%swap3A, %swap3A_6], %add3A {strides = array<i32>} : memref<1000x1xf32, #tpu.memory_space<vmem>>, vector<1000x1xf32>,
    return
  }
}

module attributes {stable_mosaic.version = 14 : i64} {
  func.func @_finalize_body(%arg0: memref<32x16xf32, #tpu.memory_space<vmem>>, %arg1: memref<1x1xf32, #tpu.memory_space<vmem>>) attributes {dimension_semantics = [], scalar_prefetch = 0 : i64, scratch_operands = 0 : i64, tpu.core_type = #tpu.core_type<tc>} {
    %get3A = arith.constant 0 : index
    %get3A_0 = arith.constant 0 : index
    %get3A_1 = vector.load %arg0[%get3A, %get3A_0] : memref<32x16xf32, #tpu.memory_space<vmem>>, vector<32x16xf32>
    %reduce_sum3A = vector.shape_cast %get3A_1 : vector<32x16xf32> to vector<1x32x16xf32>
    %reduce_sum3A_2 = arith.constant dense<0.000000e+00> : vector<1xf32>
    %reduce_sum3A_3 = vector.multi_reduction <add>, %reduce_sum3A, %reduce_sum3A_2 [1, 2] : vector<1x32x16xf32> to vector<1xf32>
    %reduce_sum3A_4 = vector.shape_cast %reduce_sum3A_3 : vector<1xf32> to vector<1x1x1xf32>
    %reduce_sum3A_5 = vector.extract %reduce_sum3A_4[0, 0, 0] : f32 from vector<1x1x1xf32>
    %mul3A = arith.constant 1.95312496E-5 : f32
    %mul3A_6 = arith.mulf %reduce_sum3A_5, %mul3A : f32
    %broadcast_in_dim3A = arith.constant 1.000000e+00 : f32
    %broadcast_in_dim3A_7 = vector.broadcast %broadcast_in_dim3A : f32 to vector<1x1xf32>
    %mul3A_8 = vector.broadcast %mul3A_6 : f32 to vector<1x1xf32>
    %mul3A_9 = arith.mulf %mul3A_8, %broadcast_in_dim3A_7 : vector<1x1xf32>
    %swap3A = arith.constant 0 : index
    %swap3A_10 = arith.constant 0 : index
    %swap3A_11 = vector.load %arg1[%swap3A, %swap3A_10] : memref<1x1xf32, #tpu.memory_space<vmem>>, vector<1x1xf32>
    tpu.vector_store %arg1[%swap3A, %swap3A_10], %mul3A_9 {strides = array<i32>} : memref<1x1xf32, #tpu.memory_space<vmem>>, vector<1x1xf32>,
    return
  }
}

module attributes {stable_mosaic.version = 14 : i64} {
  func.func @_fmt_body(%arg0: i32, %arg1: memref<8x200x128xf32, #tpu.memory_space<vmem>>, %arg2: memref<4x50x1000xf32, #tpu.memory_space<vmem>>) attributes {dimension_semantics = [#tpu.dimension_semantics<arbitrary>], iteration_bounds = array<i64: 256>, scalar_prefetch = 0 : i64, scratch_operands = 0 : i64, tpu.core_type = #tpu.core_type<tc>, window_params = [{transform_indices = @transform_0, window_bounds = array<i64: 8, 200, 128>}, {transform_indices = @transform_1, window_bounds = array<i64: 4, 50, 1000>}]} {
    %get3A = arith.constant 0 : index
    %get3A_0 = arith.constant 0 : index
    %get3A_1 = arith.constant 0 : index
    %get3A_2 = vector.load %arg1[%get3A, %get3A_0, %get3A_1] : memref<8x200x128xf32, #tpu.memory_space<vmem>>, vector<8x200x128xf32>
    %slice3A = vector.extract_strided_slice %get3A_2 {offsets = [0, 0, 0], sizes = [1, 50, 128], strides = [1, 1, 1]} : vector<8x200x128xf32> to vector<1x50x128xf32>
    %squeeze3A = vector.shape_cast %slice3A : vector<1x50x128xf32> to vector<50x128xf32>
    %slice3A_3 = vector.extract_strided_slice %get3A_2 {offsets = [1, 0, 0], sizes = [1, 50, 128], strides = [1, 1, 1]} : vector<8x200x128xf32> to vector<1x50x128xf32>
    %squeeze3A_4 = vector.shape_cast %slice3A_3 : vector<1x50x128xf32> to vector<50x128xf32>
    %slice3A_5 = vector.extract_strided_slice %get3A_2 {offsets = [2, 0, 0], sizes = [1, 50, 128], strides = [1, 1, 1]} : vector<8x200x128xf32> to vector<1x50x128xf32>
    %squeeze3A_6 = vector.shape_cast %slice3A_5 : vector<1x50x128xf32> to vector<50x128xf32>
    %slice3A_7 = vector.extract_strided_slice %get3A_2 {offsets = [3, 0, 0], sizes = [1, 50, 128], strides = [1, 1, 1]} : vector<8x200x128xf32> to vector<1x50x128xf32>
    %squeeze3A_8 = vector.shape_cast %slice3A_7 : vector<1x50x128xf32> to vector<50x128xf32>
    %slice3A_9 = vector.extract_strided_slice %get3A_2 {offsets = [4, 0, 0], sizes = [1, 50, 128], strides = [1, 1, 1]} : vector<8x200x128xf32> to vector<1x50x128xf32>
    %squeeze3A_10 = vector.shape_cast %slice3A_9 : vector<1x50x128xf32> to vector<50x128xf32>
    %slice3A_11 = vector.extract_strided_slice %get3A_2 {offsets = [5, 0, 0], sizes = [1, 50, 128], strides = [1, 1, 1]} : vector<8x200x128xf32> to vector<1x50x128xf32>
    %squeeze3A_12 = vector.shape_cast %slice3A_11 : vector<1x50x128xf32> to vector<50x128xf32>
    %slice3A_13 = vector.extract_strided_slice %get3A_2 {offsets = [6, 0, 0], sizes = [1, 50, 128], strides = [1, 1, 1]} : vector<8x200x128xf32> to vector<1x50x128xf32>
    %squeeze3A_14 = vector.shape_cast %slice3A_13 : vector<1x50x128xf32> to vector<50x128xf32>
    %slice3A_15 = vector.extract_strided_slice %get3A_2 {offsets = [7, 0, 0], sizes = [1, 50, 128], strides = [1, 1, 1]} : vector<8x200x128xf32> to vector<1x50x128xf32>
    %squeeze3A_16 = vector.shape_cast %slice3A_15 : vector<1x50x128xf32> to vector<50x128xf32>
    %concatenate3A = tpu.concatenate %squeeze3A, %squeeze3A_4, %squeeze3A_6, %squeeze3A_8, %squeeze3A_10, %squeeze3A_12, %squeeze3A_14, %squeeze3A_16 in 1 : vector<50x128xf32>, vector<50x128xf32>, vector<50x128xf32>, vector<50x128xf32>, vector<50x128xf32>, vector<50x128xf32>, vector<50x128xf32>, vector<50x128xf32> -> vector<50x1024xf32>
    %slice3A_17 = vector.extract_strided_slice %concatenate3A {offsets = [0, 0], sizes = [50, 1000], strides = [1, 1]} : vector<50x1024xf32> to vector<50x1000xf32>
    %slice3A_18 = vector.extract_strided_slice %get3A_2 {offsets = [0, 50, 0], sizes = [1, 50, 128], strides = [1, 1, 1]} : vector<8x200x128xf32> to vector<1x50x128xf32>
    %squeeze3A_19 = vector.shape_cast %slice3A_18 : vector<1x50x128xf32> to vector<50x128xf32>
    %slice3A_20 = vector.extract_strided_slice %get3A_2 {offsets = [1, 50, 0], sizes = [1, 50, 128], strides = [1, 1, 1]} : vector<8x200x128xf32> to vector<1x50x128xf32>
    %squeeze3A_21 = vector.shape_cast %slice3A_20 : vector<1x50x128xf32> to vector<50x128xf32>
    %slice3A_22 = vector.extract_strided_slice %get3A_2 {offsets = [2, 50, 0], sizes = [1, 50, 128], strides = [1, 1, 1]} : vector<8x200x128xf32> to vector<1x50x128xf32>
    %squeeze3A_23 = vector.shape_cast %slice3A_22 : vector<1x50x128xf32> to vector<50x128xf32>
    %slice3A_24 = vector.extract_strided_slice %get3A_2 {offsets = [3, 50, 0], sizes = [1, 50, 128], strides = [1, 1, 1]} : vector<8x200x128xf32> to vector<1x50x128xf32>
    %squeeze3A_25 = vector.shape_cast %slice3A_24 : vector<1x50x128xf32> to vector<50x128xf32>
    %slice3A_26 = vector.extract_strided_slice %get3A_2 {offsets = [4, 50, 0], sizes = [1, 50, 128], strides = [1, 1, 1]} : vector<8x200x128xf32> to vector<1x50x128xf32>
    %squeeze3A_27 = vector.shape_cast %slice3A_26 : vector<1x50x128xf32> to vector<50x128xf32>
    %slice3A_28 = vector.extract_strided_slice %get3A_2 {offsets = [5, 50, 0], sizes = [1, 50, 128], strides = [1, 1, 1]} : vector<8x200x128xf32> to vector<1x50x128xf32>
    %squeeze3A_29 = vector.shape_cast %slice3A_28 : vector<1x50x128xf32> to vector<50x128xf32>
    %slice3A_30 = vector.extract_strided_slice %get3A_2 {offsets = [6, 50, 0], sizes = [1, 50, 128], strides = [1, 1, 1]} : vector<8x200x128xf32> to vector<1x50x128xf32>
    %squeeze3A_31 = vector.shape_cast %slice3A_30 : vector<1x50x128xf32> to vector<50x128xf32>
    %slice3A_32 = vector.extract_strided_slice %get3A_2 {offsets = [7, 50, 0], sizes = [1, 50, 128], strides = [1, 1, 1]} : vector<8x200x128xf32> to vector<1x50x128xf32>
    %squeeze3A_33 = vector.shape_cast %slice3A_32 : vector<1x50x128xf32> to vector<50x128xf32>
    %concatenate3A_34 = tpu.concatenate %squeeze3A_19, %squeeze3A_21, %squeeze3A_23, %squeeze3A_25, %squeeze3A_27, %squeeze3A_29, %squeeze3A_31, %squeeze3A_33 in 1 : vector<50x128xf32>, vector<50x128xf32>, vector<50x128xf32>, vector<50x128xf32>, vector<50x128xf32>, vector<50x128xf32>, vector<50x128xf32>, vector<50x128xf32> -> vector<50x1024xf32>
    %slice3A_35 = vector.extract_strided_slice %concatenate3A_34 {offsets = [0, 0], sizes = [50, 1000], strides = [1, 1]} : vector<50x1024xf32> to vector<50x1000xf32>
    %slice3A_36 = vector.extract_strided_slice %get3A_2 {offsets = [0, 100, 0], sizes = [1, 50, 128], strides = [1, 1, 1]} : vector<8x200x128xf32> to vector<1x50x128xf32>
    %squeeze3A_37 = vector.shape_cast %slice3A_36 : vector<1x50x128xf32> to vector<50x128xf32>
    %slice3A_38 = vector.extract_strided_slice %get3A_2 {offsets = [1, 100, 0], sizes = [1, 50, 128], strides = [1, 1, 1]} : vector<8x200x128xf32> to vector<1x50x128xf32>
    %squeeze3A_39 = vector.shape_cast %slice3A_38 : vector<1x50x128xf32> to vector<50x128xf32>
    %slice3A_40 = vector.extract_strided_slice %get3A_2 {offsets = [2, 100, 0], sizes = [1, 50, 128], strides = [1, 1, 1]} : vector<8x200x128xf32> to vector<1x50x128xf32>
    %squeeze3A_41 = vector.shape_cast %slice3A_40 : vector<1x50x128xf32> to vector<50x128xf32>
    %slice3A_42 = vector.extract_strided_slice %get3A_2 {offsets = [3, 100, 0], sizes = [1, 50, 128], strides = [1, 1, 1]} : vector<8x200x128xf32> to vector<1x50x128xf32>
    %squeeze3A_43 = vector.shape_cast %slice3A_42 : vector<1x50x128xf32> to vector<50x128xf32>
    %slice3A_44 = vector.extract_strided_slice %get3A_2 {offsets = [4, 100, 0], sizes = [1, 50, 128], strides = [1, 1, 1]} : vector<8x200x128xf32> to vector<1x50x128xf32>
    %squeeze3A_45 = vector.shape_cast %slice3A_44 : vector<1x50x128xf32> to vector<50x128xf32>
    %slice3A_46 = vector.extract_strided_slice %get3A_2 {offsets = [5, 100, 0], sizes = [1, 50, 128], strides = [1, 1, 1]} : vector<8x200x128xf32> to vector<1x50x128xf32>
    %squeeze3A_47 = vector.shape_cast %slice3A_46 : vector<1x50x128xf32> to vector<50x128xf32>
    %slice3A_48 = vector.extract_strided_slice %get3A_2 {offsets = [6, 100, 0], sizes = [1, 50, 128], strides = [1, 1, 1]} : vector<8x200x128xf32> to vector<1x50x128xf32>
    %squeeze3A_49 = vector.shape_cast %slice3A_48 : vector<1x50x128xf32> to vector<50x128xf32>
    %slice3A_50 = vector.extract_strided_slice %get3A_2 {offsets = [7, 100, 0], sizes = [1, 50, 128], strides = [1, 1, 1]} : vector<8x200x128xf32> to vector<1x50x128xf32>
    %squeeze3A_51 = vector.shape_cast %slice3A_50 : vector<1x50x128xf32> to vector<50x128xf32>
    %concatenate3A_52 = tpu.concatenate %squeeze3A_37, %squeeze3A_39, %squeeze3A_41, %squeeze3A_43, %squeeze3A_45, %squeeze3A_47, %squeeze3A_49, %squeeze3A_51 in 1 : vector<50x128xf32>, vector<50x128xf32>, vector<50x128xf32>, vector<50x128xf32>, vector<50x128xf32>, vector<50x128xf32>, vector<50x128xf32>, vector<50x128xf32> -> vector<50x1024xf32>
    %slice3A_53 = vector.extract_strided_slice %concatenate3A_52 {offsets = [0, 0], sizes = [50, 1000], strides = [1, 1]} : vector<50x1024xf32> to vector<50x1000xf32>
    %slice3A_54 = vector.extract_strided_slice %get3A_2 {offsets = [0, 150, 0], sizes = [1, 50, 128], strides = [1, 1, 1]} : vector<8x200x128xf32> to vector<1x50x128xf32>
    %squeeze3A_55 = vector.shape_cast %slice3A_54 : vector<1x50x128xf32> to vector<50x128xf32>
    %slice3A_56 = vector.extract_strided_slice %get3A_2 {offsets = [1, 150, 0], sizes = [1, 50, 128], strides = [1, 1, 1]} : vector<8x200x128xf32> to vector<1x50x128xf32>
    %squeeze3A_57 = vector.shape_cast %slice3A_56 : vector<1x50x128xf32> to vector<50x128xf32>
    %slice3A_58 = vector.extract_strided_slice %get3A_2 {offsets = [2, 150, 0], sizes = [1, 50, 128], strides = [1, 1, 1]} : vector<8x200x128xf32> to vector<1x50x128xf32>
    %squeeze3A_59 = vector.shape_cast %slice3A_58 : vector<1x50x128xf32> to vector<50x128xf32>
    %slice3A_60 = vector.extract_strided_slice %get3A_2 {offsets = [3, 150, 0], sizes = [1, 50, 128], strides = [1, 1, 1]} : vector<8x200x128xf32> to vector<1x50x128xf32>
    %squeeze3A_61 = vector.shape_cast %slice3A_60 : vector<1x50x128xf32> to vector<50x128xf32>
    %slice3A_62 = vector.extract_strided_slice %get3A_2 {offsets = [4, 150, 0], sizes = [1, 50, 128], strides = [1, 1, 1]} : vector<8x200x128xf32> to vector<1x50x128xf32>
    %squeeze3A_63 = vector.shape_cast %slice3A_62 : vector<1x50x128xf32> to vector<50x128xf32>
    %slice3A_64 = vector.extract_strided_slice %get3A_2 {offsets = [5, 150, 0], sizes = [1, 50, 128], strides = [1, 1, 1]} : vector<8x200x128xf32> to vector<1x50x128xf32>
    %squeeze3A_65 = vector.shape_cast %slice3A_64 : vector<1x50x128xf32> to vector<50x128xf32>
    %slice3A_66 = vector.extract_strided_slice %get3A_2 {offsets = [6, 150, 0], sizes = [1, 50, 128], strides = [1, 1, 1]} : vector<8x200x128xf32> to vector<1x50x128xf32>
    %squeeze3A_67 = vector.shape_cast %slice3A_66 : vector<1x50x128xf32> to vector<50x128xf32>
    %slice3A_68 = vector.extract_strided_slice %get3A_2 {offsets = [7, 150, 0], sizes = [1, 50, 128], strides = [1, 1, 1]} : vector<8x200x128xf32> to vector<1x50x128xf32>
    %squeeze3A_69 = vector.shape_cast %slice3A_68 : vector<1x50x128xf32> to vector<50x128xf32>
    %concatenate3A_70 = tpu.concatenate %squeeze3A_55, %squeeze3A_57, %squeeze3A_59, %squeeze3A_61, %squeeze3A_63, %squeeze3A_65, %squeeze3A_67, %squeeze3A_69 in 1 : vector<50x128xf32>, vector<50x128xf32>, vector<50x128xf32>, vector<50x128xf32>, vector<50x128xf32>, vector<50x128xf32>, vector<50x128xf32>, vector<50x128xf32> -> vector<50x1024xf32>
    %slice3A_71 = vector.extract_strided_slice %concatenate3A_70 {offsets = [0, 0], sizes = [50, 1000], strides = [1, 1]} : vector<50x1024xf32> to vector<50x1000xf32>
    %stack3A = vector.shape_cast %slice3A_17 : vector<50x1000xf32> to vector<1x50x1000xf32>
    %stack3A_72 = vector.shape_cast %slice3A_35 : vector<50x1000xf32> to vector<1x50x1000xf32>
    %stack3A_73 = vector.shape_cast %slice3A_53 : vector<50x1000xf32> to vector<1x50x1000xf32>
    %stack3A_74 = vector.shape_cast %slice3A_71 : vector<50x1000xf32> to vector<1x50x1000xf32>
    %stack3A_75 = tpu.concatenate %stack3A, %stack3A_72, %stack3A_73, %stack3A_74 in 0 : vector<1x50x1000xf32>, vector<1x50x1000xf32>, vector<1x50x1000xf32>, vector<1x50x1000xf32> -> vector<4x50x1000xf32>
    %swap3A = arith.constant 0 : index
    %swap3A_76 = arith.constant 0 : index
    %swap3A_77 = arith.constant 0 : index
    %swap3A_78 = vector.load %arg2[%swap3A, %swap3A_76, %swap3A_77] : memref<4x50x1000xf32, #tpu.memory_space<vmem>>, vector<4x50x1000xf32>
    tpu.vector_store %arg2[%swap3A, %swap3A_76, %swap3A_77], %stack3A_75 {strides = array<i32>} : memref<4x50x1000xf32, #tpu.memory_space<vmem>>, vector<4x50x1000xf32>,
    return
  }
  func.func @transform_0(%arg0: i32) -> (i32, i32, i32) {
    %c0_i32 = arith.constant 0 : i32
    %c0_i32_0 = arith.constant 0 : i32
    %c0_i32_1 = arith.constant 0 : i32
    return %c0_i32, %arg0, %c0_i32_0 : i32, i32, i32
  }
  func.func @transform_1(%arg0: i32) -> (i32, i32, i32) {
    %c0_i32 = arith.constant 0 : i32
    %c0_i32_0 = arith.constant 0 : i32
    %c0_i32_1 = arith.constant 0 : i32
    return %arg0, %c0_i32, %c0_i32_0 : i32, i32, i32
  }
}

</mosaic_0001>

<sc_bundles>
// kernel: kernel.6.cloned.1.call-start
scs
__scs_entry_jumppad:
0x0: {  	(pc) =	sbr.rel $0x88, $3  }
0x1: {  	(tag) =	ssettag $0x0;
	lr =	simm.s32 $0x1  }
0x2: {  	[smem:$0x3F9E] =	sst lr;
	_ =	strace $0xD0000000  }
0x3: {  	_ = 	snop  }
0x4: {  	_ = 	snop  }
0x5: {  	_ = 	snop  }
0x6: {  	_ = 	snop  }
0x7: {  	_ = 	snop  }
__scs_overlays_trampoline_lowered:
0x8: {  	[smem:$0x3FAD] =	sst s0  }
0x9: {  	[smem:$0x3FAE] =	sst s1  }
0xa: {  	[smem:$0x3FAF] =	sst s2  }
0xb: {  	[smem:$0x3FB0] =	sst s3  }
0xc: {  	[smem:$0x3FB1] =	sst s4  }
0xd: {  	[smem:$0x3FB2] =	sst s5  }
0xe: {  	[smem:$0x3FB3] =	sst s6  }
0xf: {  	[smem:$0x3FB4] =	sst s7  }
0x10: {  	[smem:$0x3FB5] =	sst s8  }
0x11: {  	[smem:$0x3FB6] =	sst s9;
	s0 =	simm.s32 @!p0 $0x0  }
0x12: {  	s1 =	sld [smem:$0x3F9C];
	s0 =	simm.s32 @p0 $0x1  }
0x13: {  	[smem:$0x3FB7] =	sst s0;
	s0 =	simm.s32 @!p1 $0x0  }
0x14: {  	s2 =	sld [smem:$0x3F9B];
	s0 =	simm.s32 @p1 $0x1  }
0x15: {  	[smem:$0x3FB8] =	sst s0;
	s0 =	simm.s32 @!p2 $0x0  }
0x16: {  	s3 =	sld [smem:$0x3FDB];
	s0 =	simm.s32 @p2 $0x1  }
0x17: {  	s4 =	simm.s32 $0x1BF5;
	[smem:$0x3FBA] =	sst s0  }
0x18: {  	s0 =	sld [smem:$0x3F9D];
	_ =	swait.ge [sflag:s4], $0x0  }
0x19: {  	s7 =	sld [smem:$0x3F9E]  }
0x1a: {  	s8 =	sadd.s32 $0xFFFFE003, lr  }
0x1b: {  	s9 =	sadd.s32 $0xFFFFFEF7, lr;
	s5 =	simm.s32 $0xFFFFFFFF;
	p2 =	slt.u32 s8, $0xFFFFF086  }
0x1c: {  	p1 =	slt.u32 s9, $0xF7A;
	s5 =	simm.s32 @!p2 $0x0  }
0x1d: {  	s5 =	simm.s32 @p1 $0x1;
	p0 =	seq.s32 s7, s2  }
0x1e: {  	s7 =	smul.u32 @!p0 $0xF7A, s2;
	p2 =	seq.s32 @!p0 s5, $0x0  }
0x1f: {  	s9 =	smul.u32 $0xF7A, s1;
	s8 =	simm.s32 @!p0 $0x1BF5;
	p2 =	por !p2, p0  }
0x20: {  	[sflag:s8] =	ssyncset.s32 @!p0 $0xFFFFF086;
	s6 =	sadd.s32 @!p0 s3, s7;
	s7 =	simm.s32 @!p0 $0x108  }
0x21: {  	s3 =	sadd.s32 s3, s9;
	s6 =	sadd.s32 @!p0 $0x88, s6;
	s7 =	simm.s32 @p2 $0x1082  }
0x22: {  	[simem:s7], [sflag:s8] =	dma.local @!p0 [hbm:s6], $0xF7A  }
0x23: {  	s9 =	sor.u32 $0xD0000000, s2;
	s6 =	simm.s32 $0x108;
	_ =	swait.ge @!p0 [sflag:s8], $0x0  }
0x24: {  	s3 =	sadd.s32 $0x88, s3;
	s6 =	simm.s32 @!p1 $0x1082;
	[sflag:s4] =	ssyncset.s32 $0xFFFFF086  }
0x25: {  	[simem:s6], [sflag:s4] =	dma.local [hbm:s3], $0xF7A  }
0x26: {  	[smem:$0x3F9E] =	sst s1;
	(tag) =	ssettag s2;
	_ =	strace s9  }
0x27: {  	s1 =	sld [smem:$0x3FAE]  }
0x28: {  	s2 =	sld [smem:$0x3FAF]  }
0x29: {  	s4 =	sld [smem:$0x3FB1]  }
0x2a: {  	p0 =	seq.s32 s5, $0x0;
	s5 =	sld [smem:$0x3FB2]  }
0x2b: {  	s6 =	sld [smem:$0x3FB3]  }
0x2c: {  	s7 =	sld [smem:$0x3FB4]  }
0x2d: {  	s3 =	simm.s32 $0x108;
	s8 =	sld [smem:$0x3FB5]  }
0x2e: {  	s3 =	simm.s32 @!p0 $0x1082;
	s9 =	sld [smem:$0x3FB6]  }
0x2f: {  	lr =	sadd.s32 s0, s3;
	s0 =	sld [smem:$0x3FAD]  }
0x30: {  	s3 =	sld [smem:$0x3FB0]  }
0x31: {  	[smem:$0x3FB9] =	sst s10  }
0x32: {  	s10 =	sld [smem:$0x3FB7];
	_ =	sdelay $0x3  }
0x33: {  	p0 =	seq.s32 s10, $0x1;
	s10 =	sld [smem:$0x3FB9];
	_ =	sdelay $0x3  }
0x34: {  	[smem:$0x3FB9] =	sst s10  }
0x35: {  	s10 =	sld [smem:$0x3FB8];
	_ =	sdelay $0x3  }
0x36: {  	p1 =	seq.s32 s10, $0x1;
	s10 =	sld [smem:$0x3FB9];
	_ =	sdelay $0x3  }
0x37: {  	[smem:$0x3FB9] =	sst s10  }
0x38: {  	s10 =	sld [smem:$0x3FBA]  }
0x39: {  	_ = 	snop;
	(pc) =	sbr.ind lr, $3  }
0x3a: {  	_ = 	snop  }
0x3b: {  	_ = 	snop  }
0x3c: {  	p2 =	seq.s32 s10, $0x1;
	s10 =	sld [smem:$0x3FB9]  }
0x3d: {  	_ =	shalt  }
0x3e: {  	_ =	shalt  }
0x3f: {  	_ =	shalt  }
0x40: {  	_ =	shalt  }
0x41: {  	_ =	shalt  }
0x42: {  	_ =	shalt  }
0x43: {  	_ =	shalt  }
0x44: {  	_ =	shalt  }
0x45: {  	_ =	shalt  }
0x46: {  	_ =	shalt  }
0x47: {  	_ =	shalt  }
0x48: {  	_ =	shalt  }
0x49: {  	_ =	shalt  }
0x4a: {  	_ =	shalt  }
0x4b: {  	_ =	shalt  }
0x4c: {  	_ =	shalt  }
0x4d: {  	_ =	shalt  }
0x4e: {  	_ =	shalt  }
0x4f: {  	_ =	shalt  }
0x50: {  	_ =	shalt  }
0x51: {  	_ =	shalt  }
0x52: {  	_ =	shalt  }
0x53: {  	_ =	shalt  }
0x54: {  	_ =	shalt  }
0x55: {  	_ =	shalt  }
0x56: {  	_ =	shalt  }
0x57: {  	_ =	shalt  }
0x58: {  	_ =	shalt  }
0x59: {  	_ =	shalt  }
0x5a: {  	_ =	shalt  }
0x5b: {  	_ =	shalt  }
0x5c: {  	_ =	shalt  }
0x5d: {  	_ =	shalt  }
0x5e: {  	_ =	shalt  }
0x5f: {  	_ =	shalt  }
0x60: {  	_ =	shalt  }
0x61: {  	_ =	shalt  }
0x62: {  	_ =	shalt  }
0x63: {  	_ =	shalt  }
0x64: {  	_ =	shalt  }
0x65: {  	_ =	shalt  }
0x66: {  	_ =	shalt  }
0x67: {  	_ =	shalt  }
0x68: {  	_ =	shalt  }
0x69: {  	_ =	shalt  }
0x6a: {  	_ =	shalt  }
0x6b: {  	_ =	shalt  }
0x6c: {  	_ =	shalt  }
0x6d: {  	_ =	shalt  }
0x6e: {  	_ =	shalt  }
0x6f: {  	_ =	shalt  }
0x70: {  	_ =	shalt  }
0x71: {  	_ =	shalt  }
0x72: {  	_ =	shalt  }
0x73: {  	_ =	shalt  }
0x74: {  	_ =	shalt  }
0x75: {  	_ =	shalt  }
0x76: {  	_ =	shalt  }
0x77: {  	_ =	shalt  }
0x78: {  	_ =	shalt  }
0x79: {  	_ =	shalt  }
0x7a: {  	_ =	shalt  }
0x7b: {  	_ =	shalt  }
0x7c: {  	_ =	shalt  }
0x7d: {  	_ =	shalt  }
0x7e: {  	_ =	shalt  }
0x7f: {  	_ =	shalt  }
0x80: {  	_ =	shalt  }
0x81: {  	_ =	shalt  }
0x82: {  	_ =	shalt  }
0x83: {  	_ =	shalt  }
0x84: {  	_ =	shalt  }
0x85: {  	_ =	shalt  }
0x86: {  	_ =	shalt  }
0x87: {  	_ =	shalt  }
.Lfunc_end0:
.L_simem_size_0:
called_computation_lowered:
.L_overlay_start_0:
0x88: {  	s2 =	sld [smem:$0x3FD9]  }
0x89: {  	s3 =	sld [smem:$0x3FFE];
	_ =	sdelay $0x1  }
0x8a: {  	s1 =	srdreg.scid  }
0x8b: {  	s0 =	sand.u32 $0x1, s1  }
0x8c: {  	s14 =	sshll.u32 s0, $0xA;
	s2 =	sadd.s32 s3, s2  }
0x8d: {  	s2 =	sadd.s32 s2, s14  }
0x8e: {  	[smem:$0x3FC5] =	sst s2  }
0x8f: {  	_ = 	snop  }
0x90: {  	s2 =	sld [smem:$0x3FD0];
	_ =	sdelay $0x2  }
0x91: {  	s15 =	simm.s32 $0xA;
	s4 =	simm.s32 $0x10  }
0x92: {  	[smem:s4], [sflag:s15] =	dma.local [hbm:s2], $0x1  }
0x93: {  	_ =	swait.eq [sflag:s15], $0x1  }
0x94: {  	[sflag:s15] =	ssyncset.done $0x0  }
0x95: {  	[sflag:s15] =	ssyncadd.s32 $0xFFFFFFFF  }
0x96: {  	s16 =	sld [smem:$0x10];
	(tm) =	ssettm $0x1  }
0x97: {  	s17 =	sld [smem:$0x3FFB];
	_ =	sdelay $0x3  }
0x98: {  	_ =	strace s17  }
0x99: {  	s3 =	sld [smem:$0x3FFC];
	_ =	sdelay $0x3  }
0x9a: {  	_ =	strace s3  }
0x9b: {  	s3 =	sld [smem:$0x3FFD];
	_ =	sdelay $0x3  }
0x9c: {  	_ =	strace s3  }
0x9d: {  	_ =	strace $0x8FFFFFFF  }
0x9e: {  	s18 =	sld [smem:$0x3FDB];
	_ =	sdelay $0x1  }
0x9f: {  	s19 =	simm.s32 $_scs_section_size  }
0xa0: {  	s5 =	simm.s32 $_size__tile_overlayer_lowered;
	s6 =	simm.s32 $_tile_overlayer_lowered  }
0xa1: {  	s22 =	simm.s32 $0x1BFF;
	s21 =	sshll.u32 s6, $0x1;
	s3 =	sadd.s32 s19, s18  }
0xa2: {  	s7 =	simm.s32 $0x0;
	s20 =	sshll.u32 s5, $0x1;
	s5 =	sadd.s32 s21, s3  }
0xa3: {  	[timem:s7], [sflag:s22] =	dma.local [hbm:s5], s20  }
0xa4: {  	_ =	swait.ge [sflag:s22], s20  }
0xa5: {  	s4 =	ssub.s32 $0x0, s20;
	[sflag:s22] =	ssyncset.done $0x0  }
0xa6: {  	[sflag:s22] =	ssyncadd.s32 s4;
	_ =	sdelay $0x1  }
0xa7: {  	s23 =	simm.s32 $0x1B8B  }
0xa8: {  	_ =	swait.ge [sflag:s23], $0x1  }
0xa9: {  	[sflag:s23] =	ssyncset.done $0x0  }
0xaa: {  	s25 =	simm.s32 $0x1B8E;
	s24 =	sld [smem:$0x3FFE];
	[sflag:s23] =	ssyncadd.s32 $0xFFFFFFFF  }
0xab: {  	s26 =	simm.s32 $execute0_lowered;
	[smem:$0x3FD2] =	sst s25  }
0xac: {  	s5 =	sshll.u32 s26, $0x1;
	_ =	strace $0x80000046;
	[dreg:$0x1] =	wrdreg $0xFFFFFFFF  }
0xad: {  	s28 =	simm.s32 $_size_execute0_lowered;
	s3 =	sadd.s32 s3, s5;
	[dreg:$0x0] =	wrdreg $0x0  }
0xae: {  	s5 =	sshll.u32 s28, $0x1;
	[dreg:$0x2] =	wrdreg s3  }
0xaf: {  	[dreg:$0x3] =	wrdreg s5  }
0xb0: {  	[dreg:$0x4] =	wrdreg $0xC0  }
0xb1: {  	_ =	task [dreg:s7], $0x5FFFF  }
0xb2: {  	[dreg:$0x1] =	wrdreg $0xFFFFFFFF  }
0xb3: {  	[dreg:$0x0] =	wrdreg $0x60  }
0xb4: {  	[dreg:$0x2] =	wrdreg s24  }
0xb5: {  	[dreg:$0x3] =	wrdreg s16  }
0xb6: {  	[dreg:$0x4] =	wrdreg $0x9  }
0xb7: {  	_ =	task.clear_ibuf [dreg:s7], $0x5FFFF;
	_ =	strace $0x90000046  }
0xb8: {  	s29 =	simm.s32 $0x9;
	_ =	strace $0x80000048  }
0xb9: {  	_ =	swait.ge [sflag:s29], $0x1  }
0xba: {  	[sflag:s29] =	ssyncadd.s32 $0xFFFFFFFF  }
0xbb: {  	_ =	strace $0x90000048  }
0xbc: {  	_ =	sfence  }
0xbd: {  	s30 =	sld [smem:$0x0];
	_ =	sdelay $0x2  }
0xbe: {  	s31 =	sshll.u32 s1, $0xD;
	s1 =	sshrl.u32 s1, $0x2  }
0xbf: {  	s3 =	sand.u32 $0x4000, s31;
	s1 =	sadd.s32 s1, s30  }
0xc0: {  	s0 =	sor.u32 s3, s0;
	s1 =	sshll.u32 s1, $0x11  }
0xc1: {  	s0 =	sor.u32 s1, s0  }
0xc2: {  	s0 =	sadd.s32 $0x8F2B, s0  }
0xc3: {  	[sflag:s0] =	ssyncadd.remote.s32 $0x1  }
0xc4: {  	_ =	sfence.sel $0xFFFF  }
0xc5: {  	[dreg:$0x0] =	wrdreg $0xFFFFFFFF;
	(pc) =	sbr.abs _section_cstart, $3  }
0xc6: {  	[dreg:$0x1] =	wrdreg $0xFFFFFFFF  }
0xc7: {  	_ =	task.clear_ibuf [dreg:s7], $0x2FFFF;
	_ =	strace $0x9FFFFFFF  }
0xc8: {  	(tm) =	ssettm $0x7FFFFFFF  }
0xc9: {  	_ =	shalt  }
tec
execute0_lowered:
.L_overlay_start_1:
0x0: {  	(tag) =	ssettag $0x1  }
0x1: {  	s0 =	srdreg.scid;
	s1 =	rddreg [dreg:$0x0]  }
0x2: {  	s9 =	stileid.u32;
	s2 =	rddreg [dreg:$0x1]  }
0x3: {  	s3 =	simm.s32 $0x0;
	s10 =	simm.s32 $0x2500;
	s11 =	simm.s32 $0x4500  }
0x4: {  	s12 =	simm.s32 $0x6500;
	s13 =	simm.s32 $0x8500;
	[smem:$0x7FF] =	sst s3  }
0x5: {  	s29 =	simm.s32 $0x900;
	_ =	strace $0x80000047;
	[dreg:$0xd] =	wrdreg s10  }
0x6: {  	s30 =	simm.s32 $0x1900;
	s4 =	smul.u32 $0x64000, s9;
	[dreg:$0xe] =	wrdreg s11  }
0x7: {  	s0 =	sand.u32 $0x1, s0;
	s6 =	smul.u32 $0xC800, s9;
	[dreg:$0xf] =	wrdreg s12  }
0x8: {  	s7 =	sadd.s32 $0x4000, s1;
	[dreg:$0x10] =	wrdreg s13;
	s10 =	simm.s32 $0x3500  }
0x9: {  	s5 =	smul.u32 $0x32000, s0;
	s11 =	simm.s32 $0x5500;
	[dreg:$0x1d] =	wrdreg s10  }
0xa: {  	s8 =	smul.u32 $0x6400, s0;
	s13 =	simm.s32 $0x7500;
	[dreg:$0x1e] =	wrdreg s11  }
0xb: {  	s14 =	sadd.s32 s6, s7;
	[dreg:$0x1f] =	wrdreg s13;
	s4 =	sadd.s32 s5, s4  }
0xc: {  	s5 =	sadd.s32 s8, s14;
	s14 =	simm.s32 $0xA500;
	s15 =	sadd.s32 $0x640000, s4  }
0xd: {  	[dreg:$0x3] =	wrdreg s5;
	s17 =	sadd.s32 $0xC80000, s4;
	s19 =	sadd.s32 $0x12C0000, s4  }
0xe: {  	s20 =	sadd.s32 $0x1900000, s4;
	s24 =	sadd.s32 $0x1F40000, s4;
	s26 =	sadd.s32 $0x2580000, s4  }
0xf: {  	[dreg:$0x11] =	wrdreg s14;
	s6 =	sshrl.u32 s15, $0x3;
	s15 =	sadd.s32 $0x800, s1  }
0x10: {  	s22 =	sshrl.u32 s20, $0x3;
	s20 =	simm.s32 $0xD00;
	[smem:$0x7ED] =	sst s15  }
0x11: {  	s18 =	sshrl.u32 s17, $0x3;
	s16 =	sadd.s32 s6, s7;
	[dreg:$0x14] =	wrdreg s20  }
0x12: {  	s4 =	sadd.s32 $0x2BC0000, s4;
	s5 =	sadd.s32 s18, s7;
	[dreg:$0x4] =	wrdreg s16  }
0x13: {  	s4 =	sshrl.u32 s4, $0x3;
	s23 =	sadd.s32 s22, s7;
	[dreg:$0x5] =	wrdreg s5  }
0x14: {  	s31 =	simm.s32 $0x2100;
	s4 =	sadd.s32 s4, s7;
	[dreg:$0x7] =	wrdreg s23  }
0x15: {  	s13 =	simm.s32 $0x2;
	s18 =	simm.s32 $0xE500;
	[dreg:$0xa] =	wrdreg s4  }
0x16: {  	s11 =	simm.s32 $0xE100;
	s22 =	simm.s32 $0x4D00;
	[dreg:$0x13] =	wrdreg s18  }
0x17: {  	s10 =	simm.s32 $0xF100;
	s15 =	simm.s32 $0x9500;
	[dreg:$0x16] =	wrdreg s22  }
0x18: {  	v0 =	vimm.s32 $0x2380;
	vm15 =	vcmask $0x300;
	s6 =	sshrl.u32 s19, $0x3;
	s20 =	simm.s32 $0x1D00;
	[smem:$0x7F2] =	sst s15  }
0x19: {  	vm14 =	vcmask $0x704;
	v0 =	vsel vm15, $0x0, v0;
	s25 =	sshrl.u32 s24, $0x3;
	s21 =	sadd.s32 s6, s7;
	[smem:$0x7F6] =	sst s20  }
0x1a: {  	vm13 =	vcmask $0xB08;
	v0 =	vsel vm14, $0x80, v0;
	s8 =	smul.u32 $0x640, s0;
	s5 =	sadd.s32 s25, s7;
	[dreg:$0x6] =	wrdreg s21  }
0x1b: {  	vm12 =	vcmask $0xF0C;
	v0 =	vsel vm13, $0x100, v0;
	s17 =	sshll.u32 s9, $0x5;
	s16 =	simm.s32 $0xC500;
	[dreg:$0x8] =	wrdreg s5  }
0x1c: {  	vm11 =	vcmask $0x1310;
	vm8 =	vcmask $0x1714;
	v0 =	vsel vm12, $0x180, v0;
	s19 =	sshll.u32 s0, $0x4;
	s23 =	simm.s32 $0x6D00;
	[dreg:$0x12] =	wrdreg s16  }
0x1d: {  	vm1 =	vcmask $0x1B18;
	vm9 =	vcmask $0x1F1C;
	v0 =	vsel vm11, $0x200, v0;
	s0 =	ssub.s32 $0x2, s0;
	s25 =	simm.s32 $0x8D00;
	[dreg:$0x17] =	wrdreg s23  }
0x1e: {  	vm10 =	vcmask $0x2320;
	vm2 =	vcmask $0x2724;
	v0 =	vsel vm8, $0x280, v0;
	s6 =	sshrl.u32 s26, $0x3;
	s26 =	simm.s32 $0xAD00;
	[dreg:$0x18] =	wrdreg s25  }
0x1f: {  	vm3 =	vcmask $0x2B28;
	v3 =	vlaneseq.u32;
	v0 =	vsel vm1, $0x300, v0;
	s24 =	sshrl.u32 s0, $0x1;
	s18 =	simm.s32 $0xD500;
	[dreg:$0x19] =	wrdreg s26  }
0x20: {  	vm4 =	vcmask $0x2F2C;
	vm5 =	vcmask $0x3330;
	v0 =	vsel vm9, $0x380, v0;
	s22 =	simm.s32 $0x5D00;
	s15 =	simm.s32 $0x6900;
	[smem:$0x7F4] =	sst s18  }
0x21: {  	vm6 =	vcmask $0x3734;
	vm7 =	vcmask $0x3B38;
	s20 =	simm.s32 $0x9100;
	s28 =	sadd.s32 s6, s7;
	v1 =	vsel vm10, $0x2000, v0;
	[smem:$0x7F8] =	sst s22  }
0x22: {  	vm0 =	vmmov $0xffff;
	v6 =	vimm.s32 $0xA380;
	s5 =	simm.s32 $0x80;
	s6 =	smul.u32 $0xC80, s9;
	[dreg:$0x9] =	wrdreg s28;
	v1 =	vsel vm2, $0x2080, v1  }
0x23: {  	v7 =	vimm.s32 $0xE380;
	v4 =	vshrl.u32 v3, $0x3;
	s7 =	simm.s32 $0x500;
	s21 =	simm.s32 $0x2D00;
	[dreg:$0xb] =	wrdreg s5;
	v2 =	vsel vm3, $0x2100, v1  }
0x24: {  	v6 =	vsel vm15, $0x8000, v6;
	v7 =	vsel vm15, $0xC000, v7;
	s0 =	ssub.s32 s0, s24;
	s9 =	simm.s32 $0x1500;
	[dreg:$0xc] =	wrdreg s7;
	v2 =	vsel vm4, $0x2180, v2  }
0x25: {  	v6 =	vsel vm14, $0x8080, v6;
	v7 =	vsel vm14, $0xC080, v7;
	s16 =	simm.s32 $0xB500;
	s23 =	simm.s32 $0x7D00;
	[dreg:$0x15] =	wrdreg s21;
	v5 =	vsel vm5, $0x2200, v2  }
0x26: {  	s24 =	simm.s32 $0x9D00;
	s25 =	simm.s32 $0xBD00;
	[dreg:$0x1c] =	wrdreg s9;
	v2 =	vmul.u32 $0x8, v4;
	v4 =	vsel vm6, $0x2280, v5;
	v5 =	vimm.s32 $0x6380  }
0x27: {  	v6 =	vsel vm13, $0x8100, v6;
	v7 =	vsel vm13, $0xC100, v7;
	s26 =	simm.s32 $0xDD00;
	s18 =	simm.s32 $0x8100;
	[smem:$0x7F3] =	sst s16;
	v5 =	vsel vm15, $0x4000, v5  }
0x28: {  	v6 =	vsel vm12, $0x8180, v6;
	v7 =	vsel vm12, $0xC180, v7;
	s22 =	simm.s32 $0xA100;
	s28 =	simm.s32 $0xCD00;
	[smem:$0x7F9] =	sst s23;
	v5 =	vsel vm14, $0x4080, v5  }
0x29: {  	v6 =	vsel vm11, $0x8200, v6;
	v7 =	vsel vm11, $0xC200, v7;
	s7 =	sadd.s32 $0x300, s2;
	s0 =	smax.u32 s0, $0x1;
	[smem:$0x7FA] =	sst s24;
	v5 =	vsel vm13, $0x4100, v5  }
0x2a: {  	v6 =	vsel vm8, $0x8280, v6;
	v7 =	vsel vm8, $0xC280, v7;
	s9 =	simm.s32 $0x100;
	s21 =	simm.s32 $0x3D00;
	[smem:$0x7FB] =	sst s25;
	v5 =	vsel vm12, $0x4180, v5  }
0x2b: {  	v6 =	vsel vm1, $0x8300, v6;
	v7 =	vsel vm1, $0xC300, v7;
	[smem:$0x7FC] =	sst s26;
	s16 =	simm.s32 $0x7100;
	s23 =	simm.s32 $0xA900;
	v5 =	vsel vm11, $0x4200, v5  }
0x2c: {  	v6 =	vsel vm9, $0x8380, v6;
	v7 =	vsel vm9, $0xC380, v7;
	s5 =	sadd.s32 s8, s6;
	s6 =	sor.u32 s19, s17;
	[dreg:$0x1a] =	wrdreg s28;
	v5 =	vsel vm8, $0x4280, v5  }
0x2d: {  	v0 =	vimm.f32 $0.0e+00;
	v6 =	vsel vm10, $0xA000, v6;
	s17 =	sadd.s32 $0x100, s2;
	[smem:$0x7EF] =	sst s0;
	s8 =	simm.s32 $0x10100;
	v5 =	vsel vm1, $0x4300, v5  }
0x2e: {  	v7 =	vsel vm10, $0xE000, v7;
	v6 =	vsel vm2, $0xA080, v6;
	s19 =	simm.s32 $0xF500;
	[smem:$0x7F7] =	sst s21;
	s28 =	simm.s32 $0xFD00;
	v5 =	vsel vm9, $0x4380, v5  }
0x2f: {  	v7 =	vsel vm2, $0xE080, v7;
	v1 =	vand.u32 $0x7, v3;
	s0 =	simm.s32 $0x3900;
	s21 =	simm.s32 $0xE900;
	[smem:$0x7F5] =	sst s19;
	v5 =	vsel vm10, $0x6000, v5  }
0x30: {  	v3 =	vor.u32 $0x8, v3;
	v6 =	vsel vm3, $0xA100, v6;
	s5 =	sshrl.u32 s5, $0x3;
	[smem:$0x7FD] =	sst s28;
	s19 =	simm.s32 $0x8900;
	v5 =	vsel vm2, $0x6080, v5  }
0x31: {  	v7 =	vsel vm3, $0xE100, v7;
	v6 =	vsel vm4, $0xA180, v6;
	s4 =	sadd.s32 s5, s1;
	s1 =	sadd.s32 s6, s1;
	s5 =	simm.s32 $0xED00;
	v5 =	vsel vm3, $0x6100, v5  }
0x32: {  	v7 =	vsel vm4, $0xE180, v7;
	s6 =	sadd.s32 $0x200, s2;
	v6 =	vsel vm5, $0xA200, v6;
	[dreg:$0x1b] =	wrdreg s5;
	s1 =	sadd.s32 $0x3E00, s1;
	v5 =	vsel vm4, $0x6180, v5  }
0x33: {  	v7 =	vsel vm5, $0xE200, v7;
	s12 =	sadd.s32 $0x2400, s4;
	s14 =	sadd.s32 $0xA00, s4;
	v6 =	vsel vm6, $0xA280, v6;
	[smem:$0x7EE] =	sst s1;
	v5 =	vsel vm5, $0x6200, v5  }
0x34: {  	s5 =	simm.s32 $0x1100;
	v7 =	vsel vm6, $0xE280, v7;
	s4 =	simm.s32 $0x0;
	[smem:$0x7F0] =	sst s12;
	v4 =	vsel vm7, $0x2300, v4;
	v5 =	vsel vm6, $0x6280, v5  }
0x35: {  	[smem:$0x7F1] =	sst s14;
	v6 =	vsel vm7, $0xA300, v6;
	v7 =	vsel vm7, $0xE300, v7;
	s14 =	simm.s32 $0xB100;
	s12 =	simm.s32 $0xD100;
	v5 =	vsel vm7, $0x6300, v5  }
.LBB2_1:
0x36: {  	s24 =	sld [smem:$0x7ED];
	_ =	sdelay $0x1  }
0x37: {  	[smem:$0x7EC] =	sst s4  }
0x38: {  	[tilespmem:s8], [sflag:$0x2] =	stream.linear.gather [hbm4b:s24+s3], $0x400, $0x38;
	[tilespmem:$0x10580] =	vst v63  }
0x39: {  	_ =	swait.ge [sflag:s13], $0x400  }
0x3a: {  	[sflag:s13] =	ssyncset.done $0x0;
	s24 =	sld [smem:$0x7F1]  }
0x3b: {  	[sflag:s13] =	ssyncadd.s32 $0xFFFFFC00  }
0x3c: {  	s26 =	simm.s32 $0x0;
	s25 =	sld [smem:$0x7F0];
	[tilespmem:$0x10500] =	vst v0  }
.LBB2_2:
0x3d: {  	[tilespmem:s3], [sflag:$0x2] =	stream.linear.gather [hbm4b:s24+s3], $0x40, $0x38;
	[tilespmem:$0x10580] =	vst v63  }
0x3e: {  	_ =	swait.ge [sflag:s13], $0x40  }
0x3f: {  	[sflag:s13] =	ssyncset.done $0x0  }
0x40: {  	s28 =	rddreg [dreg:$0xb];
	[sflag:s13] =	ssyncadd.s32 $0xFFFFFFC0  }
0x41: {  	[tilespmem:s28], [sflag:$0x2] =	stream.linear.gather [hbm4b:s25+s3], $0x40, $0x38;
	[tilespmem:$0x10580] =	vst v63  }
0x42: {  	_ =	swait.ge [sflag:s13], $0x40  }
0x43: {  	[sflag:s13] =	ssyncset.done $0x0  }
0x44: {  	[sflag:s13] =	ssyncadd.s32 $0xFFFFFFC0  }
0x45: {  	v8 =	vld [tilespmem:$0x0];
	_ =	sdelay $0x4  }
0x46: {  	v9 =	vshll.u32 v8, $0x3  }
0x47: {  	v8 =	vand.u32 $0x7, v8;
	v9 =	vand.u32 $0xFFFFFFC0, v9  }
0x48: {  	v8 =	vor.u32 v8, v9  }
0x49: {  	v9 =	vperm.xlane v8, v1;
	_ =	sdelay $0x1  }
0x4a: {  	v9 =	vadd.s32 v2, v9;
	_ =	sdelay $0x4  }
0x4b: {  	[tilespmem:s9], [sflag:$0x1] =	stream.indirect_vreg.gather [hbm4b:s2+s3], $0x80, v9, vm0, $0xb8;
	[tilespmem:$0x10580] =	vst v63  }
0x4c: {  	v8 =	vperm.xlane v8, v3  }
0x4d: {  	[tilespmem:s29], [sflag:$0x1] =	stream.indirect_vreg.gather [hbm4b:s17+s3], $0x80, v9, vm0, $0xb8;
	[tilespmem:$0x10580] =	vst v63  }
0x4e: {  	v8 =	vadd.s32 v2, v8  }
0x4f: {  	[tilespmem:s5], [sflag:$0x1] =	stream.indirect_vreg.gather [hbm4b:s6+s3], $0x80, v9, vm0, $0xb8;
	[tilespmem:$0x10580] =	vst v63  }
0x50: {  	_ = 	snop  }
0x51: {  	[tilespmem:s30], [sflag:$0x1] =	stream.indirect_vreg.gather [hbm4b:s7+s3], $0x80, v9, vm0, $0xb8;
	[tilespmem:$0x10580] =	vst v63  }
0x52: {  	_ = 	snop  }
0x53: {  	[tilespmem:s31], [sflag:$0x1] =	stream.indirect_vreg.gather [hbm4b:s2+s3], $0x80, v8, vm0, $0xb8;
	[tilespmem:$0x10580] =	vst v63  }
0x54: {  	s8 =	simm.s32 $0x2900  }
0x55: {  	[tilespmem:s8], [sflag:$0x1] =	stream.indirect_vreg.gather [hbm4b:s17+s3], $0x80, v8, vm0, $0xb8;
	[tilespmem:$0x10580] =	vst v63  }
0x56: {  	s1 =	simm.s32 $0x3100  }
0x57: {  	[tilespmem:s1], [sflag:$0x1] =	stream.indirect_vreg.gather [hbm4b:s6+s3], $0x80, v8, vm0, $0xb8;
	[tilespmem:$0x10580] =	vst v63  }
0x58: {  	_ = 	snop  }
0x59: {  	[tilespmem:s0], [sflag:$0x1] =	stream.indirect_vreg.gather [hbm4b:s7+s3], $0x80, v8, vm0, $0xb8;
	[tilespmem:$0x10580] =	vst v63  }
0x5a: {  	v8 =	vld [tilespmem:$0x10];
	_ =	sdelay $0x4  }
0x5b: {  	v49 =	vshll.u32 v8, $0x3  }
0x5c: {  	v8 =	vand.u32 $0x7, v8;
	v9 =	vand.u32 $0xFFFFFFC0, v49  }
0x5d: {  	v8 =	vor.u32 v8, v9  }
0x5e: {  	v9 =	vperm.xlane v8, v1;
	_ =	sdelay $0x1  }
0x5f: {  	v9 =	vadd.s32 v2, v9;
	_ =	sdelay $0x3  }
0x60: {  	s0 =	simm.s32 $0x4100  }
0x61: {  	[tilespmem:s0], [sflag:$0x1] =	stream.indirect_vreg.gather [hbm4b:s2+s3], $0x80, v9, vm0, $0xb8;
	[tilespmem:$0x10580] =	vst v63  }
0x62: {  	s9 =	simm.s32 $0x4900;
	v8 =	vperm.xlane v8, v3  }
0x63: {  	[tilespmem:s9], [sflag:$0x1] =	stream.indirect_vreg.gather [hbm4b:s17+s3], $0x80, v9, vm0, $0xb8;
	[tilespmem:$0x10580] =	vst v63  }
0x64: {  	s4 =	simm.s32 $0x5100;
	v8 =	vadd.s32 v2, v8  }
0x65: {  	[tilespmem:s4], [sflag:$0x1] =	stream.indirect_vreg.gather [hbm4b:s6+s3], $0x80, v9, vm0, $0xb8;
	[tilespmem:$0x10580] =	vst v63  }
0x66: {  	s5 =	simm.s32 $0x5900  }
0x67: {  	[tilespmem:s5], [sflag:$0x1] =	stream.indirect_vreg.gather [hbm4b:s7+s3], $0x80, v9, vm0, $0xb8;
	[tilespmem:$0x10580] =	vst v63  }
0x68: {  	s30 =	simm.s32 $0x6100  }
0x69: {  	[tilespmem:s30], [sflag:$0x1] =	stream.indirect_vreg.gather [hbm4b:s2+s3], $0x80, v8, vm0, $0xb8;
	[tilespmem:$0x10580] =	vst v63  }
0x6a: {  	_ = 	snop  }
0x6b: {  	[tilespmem:s15], [sflag:$0x1] =	stream.indirect_vreg.gather [hbm4b:s17+s3], $0x80, v8, vm0, $0xb8;
	[tilespmem:$0x10580] =	vst v63  }
0x6c: {  	_ = 	snop  }
0x6d: {  	[tilespmem:s16], [sflag:$0x1] =	stream.indirect_vreg.gather [hbm4b:s6+s3], $0x80, v8, vm0, $0xb8;
	[tilespmem:$0x10580] =	vst v63  }
0x6e: {  	s28 =	simm.s32 $0x7900  }
0x6f: {  	[tilespmem:s28], [sflag:$0x1] =	stream.indirect_vreg.gather [hbm4b:s7+s3], $0x80, v8, vm0, $0xb8;
	[tilespmem:$0x10580] =	vst v63  }
0x70: {  	v8 =	vld [tilespmem:$0x20];
	_ =	sdelay $0x4  }
0x71: {  	v50 =	vshll.u32 v8, $0x3  }
0x72: {  	v8 =	vand.u32 $0x7, v8;
	v9 =	vand.u32 $0xFFFFFFC0, v50  }
0x73: {  	v8 =	vor.u32 v8, v9  }
0x74: {  	v9 =	vperm.xlane v8, v1;
	_ =	sdelay $0x1  }
0x75: {  	v9 =	vadd.s32 v2, v9;
	_ =	sdelay $0x4  }
0x76: {  	[tilespmem:s18], [sflag:$0x1] =	stream.indirect_vreg.gather [hbm4b:s2+s3], $0x80, v9, vm0, $0xb8;
	[tilespmem:$0x10580] =	vst v63  }
0x77: {  	v8 =	vperm.xlane v8, v3  }
0x78: {  	[tilespmem:s19], [sflag:$0x1] =	stream.indirect_vreg.gather [hbm4b:s17+s3], $0x80, v9, vm0, $0xb8;
	[tilespmem:$0x10580] =	vst v63  }
0x79: {  	v8 =	vadd.s32 v2, v8  }
0x7a: {  	[tilespmem:s20], [sflag:$0x1] =	stream.indirect_vreg.gather [hbm4b:s6+s3], $0x80, v9, vm0, $0xb8;
	[tilespmem:$0x10580] =	vst v63  }
0x7b: {  	s4 =	simm.s32 $0x9900  }
0x7c: {  	[tilespmem:s4], [sflag:$0x1] =	stream.indirect_vreg.gather [hbm4b:s7+s3], $0x80, v9, vm0, $0xb8;
	[tilespmem:$0x10580] =	vst v63  }
0x7d: {  	_ = 	snop  }
0x7e: {  	[tilespmem:s22], [sflag:$0x1] =	stream.indirect_vreg.gather [hbm4b:s2+s3], $0x80, v8, vm0, $0xb8;
	[tilespmem:$0x10580] =	vst v63  }
0x7f: {  	_ = 	snop  }
0x80: {  	[tilespmem:s23], [sflag:$0x1] =	stream.indirect_vreg.gather [hbm4b:s17+s3], $0x80, v8, vm0, $0xb8;
	[tilespmem:$0x10580] =	vst v63  }
0x81: {  	_ = 	snop  }
0x82: {  	[tilespmem:s14], [sflag:$0x1] =	stream.indirect_vreg.gather [hbm4b:s6+s3], $0x80, v8, vm0, $0xb8;
	[tilespmem:$0x10580] =	vst v63  }
0x83: {  	s5 =	simm.s32 $0xB900  }
0x84: {  	[tilespmem:s5], [sflag:$0x1] =	stream.indirect_vreg.gather [hbm4b:s7+s3], $0x80, v8, vm0, $0xb8;
	[tilespmem:$0x10580] =	vst v63  }
0x85: {  	v8 =	vld [tilespmem:$0x30];
	_ =	sdelay $0x4  }
0x86: {  	v51 =	vshll.u32 v8, $0x3  }
0x87: {  	v8 =	vand.u32 $0x7, v8;
	v9 =	vand.u32 $0xFFFFFFC0, v51  }
0x88: {  	v8 =	vor.u32 v8, v9  }
0x89: {  	v9 =	vperm.xlane v8, v1;
	_ =	sdelay $0x1  }
0x8a: {  	v9 =	vadd.s32 v2, v9;
	_ =	sdelay $0x3  }
0x8b: {  	s5 =	simm.s32 $0xC100  }
0x8c: {  	[tilespmem:s5], [sflag:$0x1] =	stream.indirect_vreg.gather [hbm4b:s2+s3], $0x80, v9, vm0, $0xb8;
	[tilespmem:$0x10580] =	vst v63  }
0x8d: {  	s1 =	simm.s32 $0xC900;
	v8 =	vperm.xlane v8, v3  }
0x8e: {  	[tilespmem:s1], [sflag:$0x1] =	stream.indirect_vreg.gather [hbm4b:s17+s3], $0x80, v9, vm0, $0xb8;
	[tilespmem:$0x10580] =	vst v63  }
0x8f: {  	v8 =	vadd.s32 v2, v8  }
0x90: {  	[tilespmem:s12], [sflag:$0x1] =	stream.indirect_vreg.gather [hbm4b:s6+s3], $0x80, v9, vm0, $0xb8;
	[tilespmem:$0x10580] =	vst v63  }
0x91: {  	s4 =	simm.s32 $0xD900  }
0x92: {  	[tilespmem:s4], [sflag:$0x1] =	stream.indirect_vreg.gather [hbm4b:s7+s3], $0x80, v9, vm0, $0xb8;
	[tilespmem:$0x10580] =	vst v63  }
0x93: {  	_ = 	snop  }
0x94: {  	[tilespmem:s11], [sflag:$0x1] =	stream.indirect_vreg.gather [hbm4b:s2+s3], $0x80, v8, vm0, $0xb8;
	[tilespmem:$0x10580] =	vst v63  }
0x95: {  	_ = 	snop  }
0x96: {  	[tilespmem:s21], [sflag:$0x1] =	stream.indirect_vreg.gather [hbm4b:s17+s3], $0x80, v8, vm0, $0xb8;
	[tilespmem:$0x10580] =	vst v63  }
0x97: {  	_ = 	snop  }
0x98: {  	[tilespmem:s10], [sflag:$0x1] =	stream.indirect_vreg.gather [hbm4b:s6+s3], $0x80, v8, vm0, $0xb8;
	[tilespmem:$0x10580] =	vst v63  }
0x99: {  	s28 =	simm.s32 $0xF900;
	s4 =	simm.s32 $0x1  }
0x9a: {  	[tilespmem:s28], [sflag:$0x1] =	stream.indirect_vreg.gather [hbm4b:s7+s3], $0x80, v8, vm0, $0xb8;
	[tilespmem:$0x10580] =	vst v63  }
0x9b: {  	_ =	swait.ge [sflag:s4], $0x10000  }
0x9c: {  	s28 =	rddreg [dreg:$0x3];
	[sflag:s4] =	ssyncset.done $0x0  }
0x9d: {  	s29 =	simm.s32 $0x100;
	[sflag:s4] =	ssyncadd.s32 $0xFFFF0000;
	s28 =	sadd.s32 s26, s28  }
0x9e: {  	[hbm4b:s28+s3] =	stream.linear.scatter [tilespmem:s29], [sflag:$0x2], $0x400, $0x38;
	[tilespmem:$0x10580] =	vst v63  }
0x9f: {  	s29 =	sadd.s32 $0x80, s28  }
0xa0: {  	[hbm4b:s29+s3] =	stream.linear.scatter [tilespmem:s31], [sflag:$0x2], $0x400, $0x38;
	[tilespmem:$0x10580] =	vst v63  }
0xa1: {  	s29 =	sadd.s32 $0x100, s28  }
0xa2: {  	[hbm4b:s29+s3] =	stream.linear.scatter [tilespmem:s0], [sflag:$0x2], $0x400, $0x38;
	[tilespmem:$0x10580] =	vst v63  }
0xa3: {  	s29 =	sadd.s32 $0x180, s28  }
0xa4: {  	[hbm4b:s29+s3] =	stream.linear.scatter [tilespmem:s30], [sflag:$0x2], $0x400, $0x38;
	[tilespmem:$0x10580] =	vst v63  }
0xa5: {  	s29 =	sadd.s32 $0x200, s28  }
0xa6: {  	[hbm4b:s29+s3] =	stream.linear.scatter [tilespmem:s18], [sflag:$0x2], $0x400, $0x38;
	[tilespmem:$0x10580] =	vst v63  }
0xa7: {  	s29 =	sadd.s32 $0x280, s28  }
0xa8: {  	[hbm4b:s29+s3] =	stream.linear.scatter [tilespmem:s22], [sflag:$0x2], $0x400, $0x38;
	[tilespmem:$0x10580] =	vst v63  }
0xa9: {  	s29 =	sadd.s32 $0x300, s28  }
0xaa: {  	[hbm4b:s29+s3] =	stream.linear.scatter [tilespmem:s5], [sflag:$0x2], $0x400, $0x38;
	[tilespmem:$0x10580] =	vst v63  }
0xab: {  	s28 =	sadd.s32 $0x380, s28  }
0xac: {  	[hbm4b:s28+s3] =	stream.linear.scatter [tilespmem:s11], [sflag:$0x2], $0x400, $0x38;
	[tilespmem:$0x10580] =	vst v63  }
0xad: {  	_ =	swait.ge [sflag:s13], $0x2000  }
0xae: {  	s0 =	rddreg [dreg:$0x4];
	[sflag:s13] =	ssyncset.done $0x0  }
0xaf: {  	s29 =	rddreg [dreg:$0xc];
	[sflag:s13] =	ssyncadd.s32 $0xFFFFE000;
	s28 =	sadd.s32 s26, s0  }
0xb0: {  	[hbm4b:s28+s3] =	stream.linear.scatter [tilespmem:s29], [sflag:$0x2], $0x400, $0x38;
	[tilespmem:$0x10580] =	vst v63  }
0xb1: {  	s30 =	rddreg [dreg:$0xd];
	s29 =	sadd.s32 $0x80, s28  }
0xb2: {  	[hbm4b:s29+s3] =	stream.linear.scatter [tilespmem:s30], [sflag:$0x2], $0x400, $0x38;
	[tilespmem:$0x10580] =	vst v63  }
0xb3: {  	s31 =	rddreg [dreg:$0xe];
	s29 =	sadd.s32 $0x100, s28  }
0xb4: {  	[hbm4b:s29+s3] =	stream.linear.scatter [tilespmem:s31], [sflag:$0x2], $0x400, $0x38;
	[tilespmem:$0x10580] =	vst v63  }
0xb5: {  	s30 =	rddreg [dreg:$0xf];
	s29 =	sadd.s32 $0x180, s28  }
0xb6: {  	[hbm4b:s29+s3] =	stream.linear.scatter [tilespmem:s30], [sflag:$0x2], $0x400, $0x38;
	[tilespmem:$0x10580] =	vst v63  }
0xb7: {  	s31 =	rddreg [dreg:$0x10];
	s29 =	sadd.s32 $0x200, s28  }
0xb8: {  	[hbm4b:s29+s3] =	stream.linear.scatter [tilespmem:s31], [sflag:$0x2], $0x400, $0x38;
	[tilespmem:$0x10580] =	vst v63  }
0xb9: {  	s30 =	rddreg [dreg:$0x11];
	s29 =	sadd.s32 $0x280, s28  }
0xba: {  	[hbm4b:s29+s3] =	stream.linear.scatter [tilespmem:s30], [sflag:$0x2], $0x400, $0x38;
	[tilespmem:$0x10580] =	vst v63  }
0xbb: {  	s31 =	rddreg [dreg:$0x12];
	s29 =	sadd.s32 $0x300, s28  }
0xbc: {  	[hbm4b:s29+s3] =	stream.linear.scatter [tilespmem:s31], [sflag:$0x2], $0x400, $0x38;
	[tilespmem:$0x10580] =	vst v63  }
0xbd: {  	s30 =	rddreg [dreg:$0x13];
	s28 =	sadd.s32 $0x380, s28  }
0xbe: {  	[hbm4b:s28+s3] =	stream.linear.scatter [tilespmem:s30], [sflag:$0x2], $0x400, $0x38;
	[tilespmem:$0x10580] =	vst v63  }
0xbf: {  	_ =	swait.ge [sflag:s13], $0x2000  }
0xc0: {  	s5 =	rddreg [dreg:$0x5];
	[sflag:s13] =	ssyncset.done $0x0  }
0xc1: {  	s4 =	simm.s32 $0x900;
	[sflag:s13] =	ssyncadd.s32 $0xFFFFE000;
	s28 =	sadd.s32 s26, s5  }
0xc2: {  	[hbm4b:s28+s3] =	stream.linear.scatter [tilespmem:s4], [sflag:$0x2], $0x400, $0x38;
	[tilespmem:$0x10580] =	vst v63  }
0xc3: {  	s29 =	sadd.s32 $0x80, s28  }
0xc4: {  	[hbm4b:s29+s3] =	stream.linear.scatter [tilespmem:s8], [sflag:$0x2], $0x400, $0x38;
	[tilespmem:$0x10580] =	vst v63  }
0xc5: {  	s29 =	sadd.s32 $0x100, s28  }
0xc6: {  	[hbm4b:s29+s3] =	stream.linear.scatter [tilespmem:s9], [sflag:$0x2], $0x400, $0x38;
	[tilespmem:$0x10580] =	vst v63  }
0xc7: {  	s29 =	sadd.s32 $0x180, s28  }
0xc8: {  	[hbm4b:s29+s3] =	stream.linear.scatter [tilespmem:s15], [sflag:$0x2], $0x400, $0x38;
	[tilespmem:$0x10580] =	vst v63  }
0xc9: {  	s29 =	sadd.s32 $0x200, s28  }
0xca: {  	[hbm4b:s29+s3] =	stream.linear.scatter [tilespmem:s19], [sflag:$0x2], $0x400, $0x38;
	[tilespmem:$0x10580] =	vst v63  }
0xcb: {  	s29 =	sadd.s32 $0x280, s28  }
0xcc: {  	[hbm4b:s29+s3] =	stream.linear.scatter [tilespmem:s23], [sflag:$0x2], $0x400, $0x38;
	[tilespmem:$0x10580] =	vst v63  }
0xcd: {  	s29 =	sadd.s32 $0x300, s28  }
0xce: {  	[hbm4b:s29+s3] =	stream.linear.scatter [tilespmem:s1], [sflag:$0x2], $0x400, $0x38;
	[tilespmem:$0x10580] =	vst v63  }
0xcf: {  	s28 =	sadd.s32 $0x380, s28  }
0xd0: {  	[hbm4b:s28+s3] =	stream.linear.scatter [tilespmem:s21], [sflag:$0x2], $0x400, $0x38;
	[tilespmem:$0x10580] =	vst v63  }
0xd1: {  	_ =	swait.ge [sflag:s13], $0x2000  }
0xd2: {  	s1 =	rddreg [dreg:$0x6];
	[sflag:s13] =	ssyncset.done $0x0  }
0xd3: {  	s29 =	rddreg [dreg:$0x14];
	[sflag:s13] =	ssyncadd.s32 $0xFFFFE000;
	s28 =	sadd.s32 s26, s1  }
0xd4: {  	[hbm4b:s28+s3] =	stream.linear.scatter [tilespmem:s29], [sflag:$0x2], $0x400, $0x38;
	[tilespmem:$0x10580] =	vst v63  }
0xd5: {  	s30 =	rddreg [dreg:$0x15];
	s29 =	sadd.s32 $0x80, s28  }
0xd6: {  	[hbm4b:s29+s3] =	stream.linear.scatter [tilespmem:s30], [sflag:$0x2], $0x400, $0x38;
	[tilespmem:$0x10580] =	vst v63  }
0xd7: {  	s31 =	rddreg [dreg:$0x16];
	s29 =	sadd.s32 $0x100, s28  }
0xd8: {  	[hbm4b:s29+s3] =	stream.linear.scatter [tilespmem:s31], [sflag:$0x2], $0x400, $0x38;
	[tilespmem:$0x10580] =	vst v63  }
0xd9: {  	s30 =	rddreg [dreg:$0x17];
	s29 =	sadd.s32 $0x180, s28  }
0xda: {  	[hbm4b:s29+s3] =	stream.linear.scatter [tilespmem:s30], [sflag:$0x2], $0x400, $0x38;
	[tilespmem:$0x10580] =	vst v63  }
0xdb: {  	s31 =	rddreg [dreg:$0x18];
	s29 =	sadd.s32 $0x200, s28  }
0xdc: {  	[hbm4b:s29+s3] =	stream.linear.scatter [tilespmem:s31], [sflag:$0x2], $0x400, $0x38;
	[tilespmem:$0x10580] =	vst v63  }
0xdd: {  	s30 =	rddreg [dreg:$0x19];
	s29 =	sadd.s32 $0x280, s28  }
0xde: {  	[hbm4b:s29+s3] =	stream.linear.scatter [tilespmem:s30], [sflag:$0x2], $0x400, $0x38;
	[tilespmem:$0x10580] =	vst v63  }
0xdf: {  	s31 =	rddreg [dreg:$0x1a];
	s29 =	sadd.s32 $0x300, s28  }
0xe0: {  	[hbm4b:s29+s3] =	stream.linear.scatter [tilespmem:s31], [sflag:$0x2], $0x400, $0x38;
	[tilespmem:$0x10580] =	vst v63  }
0xe1: {  	s30 =	rddreg [dreg:$0x1b];
	s28 =	sadd.s32 $0x380, s28  }
0xe2: {  	[hbm4b:s28+s3] =	stream.linear.scatter [tilespmem:s30], [sflag:$0x2], $0x400, $0x38;
	[tilespmem:$0x10580] =	vst v63  }
0xe3: {  	_ =	swait.ge [sflag:s13], $0x2000  }
0xe4: {  	s4 =	rddreg [dreg:$0x7];
	[sflag:s13] =	ssyncset.done $0x0  }
0xe5: {  	s5 =	simm.s32 $0x1100;
	[sflag:s13] =	ssyncadd.s32 $0xFFFFE000;
	s28 =	sadd.s32 s26, s4  }
0xe6: {  	[hbm4b:s28+s3] =	stream.linear.scatter [tilespmem:s5], [sflag:$0x2], $0x400, $0x38;
	[tilespmem:$0x10580] =	vst v63  }
0xe7: {  	s8 =	simm.s32 $0x3100;
	s29 =	sadd.s32 $0x80, s28  }
0xe8: {  	[hbm4b:s29+s3] =	stream.linear.scatter [tilespmem:s8], [sflag:$0x2], $0x400, $0x38;
	[tilespmem:$0x10580] =	vst v63  }
0xe9: {  	s4 =	simm.s32 $0x5100;
	s29 =	sadd.s32 $0x100, s28  }
0xea: {  	[hbm4b:s29+s3] =	stream.linear.scatter [tilespmem:s4], [sflag:$0x2], $0x400, $0x38;
	[tilespmem:$0x10580] =	vst v63  }
0xeb: {  	s29 =	sadd.s32 $0x180, s28  }
0xec: {  	[hbm4b:s29+s3] =	stream.linear.scatter [tilespmem:s16], [sflag:$0x2], $0x400, $0x38;
	[tilespmem:$0x10580] =	vst v63  }
0xed: {  	s29 =	sadd.s32 $0x200, s28  }
0xee: {  	[hbm4b:s29+s3] =	stream.linear.scatter [tilespmem:s20], [sflag:$0x2], $0x400, $0x38;
	[tilespmem:$0x10580] =	vst v63  }
0xef: {  	s29 =	sadd.s32 $0x280, s28  }
0xf0: {  	[hbm4b:s29+s3] =	stream.linear.scatter [tilespmem:s14], [sflag:$0x2], $0x400, $0x38;
	[tilespmem:$0x10580] =	vst v63  }
0xf1: {  	s29 =	sadd.s32 $0x300, s28  }
0xf2: {  	[hbm4b:s29+s3] =	stream.linear.scatter [tilespmem:s12], [sflag:$0x2], $0x400, $0x38;
	[tilespmem:$0x10580] =	vst v63  }
0xf3: {  	s28 =	sadd.s32 $0x380, s28  }
0xf4: {  	[hbm4b:s28+s3] =	stream.linear.scatter [tilespmem:s10], [sflag:$0x2], $0x400, $0x38;
	[tilespmem:$0x10580] =	vst v63  }
0xf5: {  	_ =	swait.ge [sflag:s13], $0x2000  }
0xf6: {  	s4 =	rddreg [dreg:$0x8]  }
0xf7: {  	s29 =	rddreg [dreg:$0x1c];
	[sflag:s13] =	ssyncset.done $0x0  }
0xf8: {  	s30 =	rddreg [dreg:$0x1d];
	[sflag:s13] =	ssyncadd.s32 $0xFFFFE000;
	s28 =	sadd.s32 s26, s4  }
0xf9: {  	[hbm4b:s28+s3] =	stream.linear.scatter [tilespmem:s29], [sflag:$0x2], $0x400, $0x38;
	[tilespmem:$0x10580] =	vst v63  }
0xfa: {  	s31 =	rddreg [dreg:$0x1e];
	s29 =	sadd.s32 $0x80, s28  }
0xfb: {  	[hbm4b:s29+s3] =	stream.linear.scatter [tilespmem:s30], [sflag:$0x2], $0x400, $0x38;
	[tilespmem:$0x10580] =	vst v63  }
0xfc: {  	s29 =	sadd.s32 $0x100, s28;
	s30 =	rddreg [dreg:$0x1f]  }
0xfd: {  	[hbm4b:s29+s3] =	stream.linear.scatter [tilespmem:s31], [sflag:$0x2], $0x400, $0x38;
	[tilespmem:$0x10580] =	vst v63  }
0xfe: {  	s29 =	sadd.s32 $0x180, s28;
	s31 =	sld [smem:$0x7F2]  }
0xff: {  	[hbm4b:s29+s3] =	stream.linear.scatter [tilespmem:s30], [sflag:$0x2], $0x400, $0x38;
	[tilespmem:$0x10580] =	vst v63  }
0x100: {  	s29 =	sadd.s32 $0x200, s28;
	s30 =	sld [smem:$0x7F3]  }
0x101: {  	[hbm4b:s29+s3] =	stream.linear.scatter [tilespmem:s31], [sflag:$0x2], $0x400, $0x38;
	[tilespmem:$0x10580] =	vst v63  }
0x102: {  	s29 =	sadd.s32 $0x280, s28;
	s31 =	sld [smem:$0x7F4]  }
0x103: {  	[hbm4b:s29+s3] =	stream.linear.scatter [tilespmem:s30], [sflag:$0x2], $0x400, $0x38;
	[tilespmem:$0x10580] =	vst v63  }
0x104: {  	s29 =	sadd.s32 $0x300, s28;
	s30 =	sld [smem:$0x7F5]  }
0x105: {  	[hbm4b:s29+s3] =	stream.linear.scatter [tilespmem:s31], [sflag:$0x2], $0x400, $0x38;
	[tilespmem:$0x10580] =	vst v63  }
0x106: {  	s28 =	sadd.s32 $0x380, s28  }
0x107: {  	[hbm4b:s28+s3] =	stream.linear.scatter [tilespmem:s30], [sflag:$0x2], $0x400, $0x38;
	[tilespmem:$0x10580] =	vst v63  }
0x108: {  	_ =	swait.ge [sflag:s13], $0x2000  }
0x109: {  	s1 =	rddreg [dreg:$0x9];
	[sflag:s13] =	ssyncset.done $0x0  }
0x10a: {  	s0 =	simm.s32 $0x1900;
	[sflag:s13] =	ssyncadd.s32 $0xFFFFE000;
	s28 =	sadd.s32 s26, s1  }
0x10b: {  	[hbm4b:s28+s3] =	stream.linear.scatter [tilespmem:s0], [sflag:$0x2], $0x400, $0x38;
	[tilespmem:$0x10580] =	vst v63  }
0x10c: {  	s0 =	simm.s32 $0x3900;
	s29 =	sadd.s32 $0x80, s28  }
0x10d: {  	[hbm4b:s29+s3] =	stream.linear.scatter [tilespmem:s0], [sflag:$0x2], $0x400, $0x38;
	[tilespmem:$0x10580] =	vst v63  }
0x10e: {  	s4 =	simm.s32 $0x5900;
	s29 =	sadd.s32 $0x100, s28  }
0x10f: {  	[hbm4b:s29+s3] =	stream.linear.scatter [tilespmem:s4], [sflag:$0x2], $0x400, $0x38;
	[tilespmem:$0x10580] =	vst v63  }
0x110: {  	s29 =	sadd.s32 $0x180, s28;
	s4 =	simm.s32 $0x7900  }
0x111: {  	[hbm4b:s29+s3] =	stream.linear.scatter [tilespmem:s4], [sflag:$0x2], $0x400, $0x38;
	[tilespmem:$0x10580] =	vst v63  }
0x112: {  	s29 =	sadd.s32 $0x200, s28;
	s4 =	simm.s32 $0x9900  }
0x113: {  	[hbm4b:s29+s3] =	stream.linear.scatter [tilespmem:s4], [sflag:$0x2], $0x400, $0x38;
	[tilespmem:$0x10580] =	vst v63  }
0x114: {  	s29 =	sadd.s32 $0x280, s28;
	s4 =	simm.s32 $0xB900  }
0x115: {  	[hbm4b:s29+s3] =	stream.linear.scatter [tilespmem:s4], [sflag:$0x2], $0x400, $0x38;
	[tilespmem:$0x10580] =	vst v63  }
0x116: {  	s29 =	sadd.s32 $0x300, s28;
	s4 =	simm.s32 $0xD900  }
0x117: {  	[hbm4b:s29+s3] =	stream.linear.scatter [tilespmem:s4], [sflag:$0x2], $0x400, $0x38;
	[tilespmem:$0x10580] =	vst v63  }
0x118: {  	s28 =	sadd.s32 $0x380, s28;
	s4 =	simm.s32 $0xF900  }
0x119: {  	[hbm4b:s28+s3] =	stream.linear.scatter [tilespmem:s4], [sflag:$0x2], $0x400, $0x38;
	[tilespmem:$0x10580] =	vst v63  }
0x11a: {  	_ =	swait.ge [sflag:s13], $0x2000  }
0x11b: {  	s29 =	sld [smem:$0x7F6]  }
0x11c: {  	s4 =	rddreg [dreg:$0xa];
	[sflag:s13] =	ssyncset.done $0x0  }
0x11d: {  	s30 =	sld [smem:$0x7F7];
	[sflag:s13] =	ssyncadd.s32 $0xFFFFE000;
	s28 =	sadd.s32 s26, s4  }
0x11e: {  	[hbm4b:s28+s3] =	stream.linear.scatter [tilespmem:s29], [sflag:$0x2], $0x400, $0x38;
	[tilespmem:$0x10580] =	vst v63  }
0x11f: {  	s31 =	sld [smem:$0x7F8];
	s29 =	sadd.s32 $0x80, s28  }
0x120: {  	[hbm4b:s29+s3] =	stream.linear.scatter [tilespmem:s30], [sflag:$0x2], $0x400, $0x38;
	[tilespmem:$0x10580] =	vst v63  }
0x121: {  	s29 =	sadd.s32 $0x100, s28;
	s30 =	sld [smem:$0x7F9]  }
0x122: {  	[hbm4b:s29+s3] =	stream.linear.scatter [tilespmem:s31], [sflag:$0x2], $0x400, $0x38;
	[tilespmem:$0x10580] =	vst v63  }
0x123: {  	s29 =	sadd.s32 $0x180, s28;
	s31 =	sld [smem:$0x7FA]  }
0x124: {  	[hbm4b:s29+s3] =	stream.linear.scatter [tilespmem:s30], [sflag:$0x2], $0x400, $0x38;
	[tilespmem:$0x10580] =	vst v63  }
0x125: {  	s29 =	sadd.s32 $0x200, s28;
	s30 =	sld [smem:$0x7FB]  }
0x126: {  	[hbm4b:s29+s3] =	stream.linear.scatter [tilespmem:s31], [sflag:$0x2], $0x400, $0x38;
	[tilespmem:$0x10580] =	vst v63  }
0x127: {  	s29 =	sadd.s32 $0x280, s28;
	s31 =	sld [smem:$0x7FC]  }
0x128: {  	[hbm4b:s29+s3] =	stream.linear.scatter [tilespmem:s30], [sflag:$0x2], $0x400, $0x38;
	[tilespmem:$0x10580] =	vst v63  }
0x129: {  	s29 =	sadd.s32 $0x300, s28;
	s30 =	sld [smem:$0x7FD]  }
0x12a: {  	[hbm4b:s29+s3] =	stream.linear.scatter [tilespmem:s31], [sflag:$0x2], $0x400, $0x38;
	[tilespmem:$0x10580] =	vst v63  }
0x12b: {  	s28 =	sadd.s32 $0x380, s28  }
0x12c: {  	[hbm4b:s28+s3] =	stream.linear.scatter [tilespmem:s30], [sflag:$0x2], $0x400, $0x38;
	[tilespmem:$0x10580] =	vst v63  }
0x12d: {  	_ =	swait.ge [sflag:s13], $0x2000  }
0x12e: {  	[sflag:s13] =	ssyncset.done $0x0  }
0x12f: {  	[sflag:s13] =	ssyncadd.s32 $0xFFFFE000  }
0x130: {  	v8 =	vld [tilespmem:$0x80];
	_ =	sdelay $0x3  }
0x131: {  	v52 =	vld [tilespmem:$0x0]  }
0x132: {  	v10 =	vshll.u32 v8, $0x3  }
0x133: {  	v8 =	vand.u32 $0x7F, v8;
	v10 =	vand.u32 $0xFFFFFC00, v10  }
0x134: {  	v8 =	vor.u32 v8, v10  }
0x135: {  	v8 =	vadd.s32 v4, v8;
	_ =	sdelay $0x2  }
0x136: {  	s8 =	simm.s32 $0x10100;
	v53 =	vld [tilespmem:$0x90]  }
0x137: {  	s9 =	simm.s32 $0x100;
	v9 =	vld.idx.msk [tilespmem:v52+s8+$0x0], $0xffff  }
0x138: {  	v8 =	vld.idx.msk [tilespmem:v8+s9+$0x0], $0xffff  }
0x139: {  	v11 =	vld [tilespmem:$0x10500]  }
0x13a: {  	v12 =	vld [tilespmem:$0x10]  }
0x13b: {  	v13 =	vshll.u32 v53, $0x3  }
0x13c: {  	v13 =	vand.u32 $0xFFFFFC00, v13;
	v10 =	vand.u32 $0x7F, v53  }
0x13d: {  	v54 =	vor.u32 v10, v13;
	v8 =	vsub.f32 v9, v8  }
0x13e: {  	v9 =	vadd.s32 v5, v54  }
0x13f: {  	v8 =	vadd.f32 v8, v11;
	_ =	sdelay $0x1  }
0x140: {  	v55 =	vld [tilespmem:$0xA0];
	[tilespmem:$0x10500] =	vst v8  }
0x141: {  	v56 =	vld.idx.msk [tilespmem:v12+s8+$0x0], $0xffff  }
0x142: {  	v9 =	vld.idx.msk [tilespmem:v9+s9+$0x0], $0xffff;
	_ =	sdelay $0x1  }
0x143: {  	v57 =	vld [tilespmem:$0x20]  }
0x144: {  	v58 =	vshll.u32 v55, $0x3  }
0x145: {  	v10 =	vand.u32 $0x7F, v55;
	v13 =	vand.u32 $0xFFFFFC00, v58  }
0x146: {  	v10 =	vor.u32 v10, v13;
	v9 =	vsub.f32 v56, v9  }
0x147: {  	v10 =	vadd.s32 v6, v10  }
0x148: {  	v8 =	vadd.f32 v9, v8;
	_ =	sdelay $0x1  }
0x149: {  	v59 =	vld [tilespmem:$0xB0];
	[tilespmem:$0x10500] =	vst v8  }
0x14a: {  	v60 =	vld.idx.msk [tilespmem:v57+s8+$0x0], $0xffff  }
0x14b: {  	v10 =	vld.idx.msk [tilespmem:v10+s9+$0x0], $0xffff;
	_ =	sdelay $0x1  }
0x14c: {  	v61 =	vld [tilespmem:$0x30]  }
0x14d: {  	v62 =	vshll.u32 v59, $0x3  }
0x14e: {  	v13 =	vand.u32 $0xFFFFFC00, v62;
	v9 =	vand.u32 $0x7F, v59  }
0x14f: {  	v9 =	vor.u32 v9, v13;
	v10 =	vsub.f32 v60, v10  }
0x150: {  	v9 =	vadd.s32 v7, v9  }
0x151: {  	v8 =	vadd.f32 v10, v8;
	_ =	sdelay $0x1  }
0x152: {  	[tilespmem:$0x10500] =	vst v8  }
0x153: {  	v63 =	vld.idx.msk [tilespmem:v61+s8+$0x0], $0xffff  }
0x154: {  	v9 =	vld.idx.msk [tilespmem:v9+s9+$0x0], $0xffff;
	_ =	sdelay $0x3  }
0x155: {  	p0 =	sne.s32 s26, $0x6000  }
.Ltmp0:
0x156: {  	v9 =	vsub.f32 v63, v9;
	(pc) =	sbr.rel @p0 .LBB2_2-.Ltmp0, $4  }
0x157: {  	_ = 	snop  }
0x158: {  	v8 =	vadd.f32 v9, v8  }
0x159: {  	s24 =	sadd.s32 $0x8, s24;
	s25 =	sadd.s32 $0x8, s25;
	s26 =	sadd.s32 $0x400, s26  }
0x15a: {  	s31 =	simm.s32 $0x2100;
	s29 =	simm.s32 $0x900;
	s30 =	simm.s32 $0x1900;
	[tilespmem:$0x10500] =	vst v8  }
0x15b: {  	s24 =	sld [smem:$0x7EE];
	_ =	sdelay $0x1  }
0x15c: {  	s4 =	simm.s32 $0x10500  }
0x15d: {  	[hbm4b:s24+s3] =	stream.linear.scatter [tilespmem:s4], [sflag:$0x2], $0x80, $0x38;
	[tilespmem:$0x10580] =	vst v63  }
0x15e: {  	_ =	swait.ge [sflag:s13], $0x80  }
0x15f: {  	s26 =	sld [smem:$0x7EC]  }
0x160: {  	s28 =	sld [smem:$0x7EF];
	_ =	sdelay $0x1  }
0x161: {  	s4 =	sadd.s32 $0x1, s26  }
0x162: {  	p0 =	sne.s32 s4, s28  }
.Ltmp1:
0x163: {  	_ = 	snop;
	(pc) =	sbr.rel @p0 .LBB2_1-.Ltmp1, $3  }
0x164: {  	_ =	sdelay $0x1  }
0x165: {  	[sflag:s13] =	ssyncset.done $0x0  }
0x166: {  	[sflag:s13] =	ssyncadd.s32 $0xFFFFFF80  }
0x167: {  	_ =	sfence.sel $0x180000  }
0x168: {  	[bflag:$0x0] =	sbarrier.arrive $0xFFFF  }
0x169: {  	_ =	strace $0x90000047  }
0x16a: {  	s0 =	stileid.u32;
	[bflag:$0x2] =	sbarrier.arrive $0xFFFF  }
0x16b: {  	p0 =	sne.s32 s0, $0x0;
	s0 =	rddreg [dreg:$0x2]  }
0x16c: {  	s0 =	sadd.s32 @!p0 $0x100000, s0  }
0x16d: {  	[sflag:s0] =	ssyncadd.tile.s32 @!p0 $0x1;
	_ =	shalt  }
.Lfunc_end2:
_tile_overlayer_lowered:
.L_overlay_start_2:
0x16e: {  	(tag) =	ssettag $0x2  }
0x16f: {  	s0 =	rddreg [dreg:$0x0];
	s2 =	stileid.u32  }
0x170: {  	s1 =	rddreg [dreg:$0x1];
	p0 =	sne.s32 s2, $0x0  }
0x171: {  	s3 =	rddreg [dreg:$0x2];
	[bflag:$0x3] =	sbarrier.arrive $0xFFFF;
	s2 =	simm.s32 @!p0 $0x1C02  }
0x172: {  	[timem:s3], [sflag:s2] =	dma.local @!p0 [hbm:s0], s1  }
0x173: {  	s0 =	simm.s32 @!p0 $0x2  }
0x174: {  	_ =	swait.ge @!p0 [sflag:s0], s1  }
0x175: {  	s1 =	ssub.s32 @!p0 $0x0, s1;
	[sflag:s0] =	ssyncset.done @!p0 $0x0  }
0x176: {  	[sflag:s0] =	ssyncadd.s32 @!p0 s1  }
0x177: {  	[bflag:$0x3] =	sbarrier.arrive $0xFFFF  }
0x178: {  	_ =	shalt  }

</sc_bundles>
